<compile_context>
chip_gen: v7x
topology: tpu7x:2x2x1
jax: 0.10.2.dev20260603
libtpu: 0.0.44.dev20260713+nightly
codegen_flags: <defaults>
</compile_context>

<pallas_src>
import functools

import jax
import jax.numpy as jnp
from jax import lax
from jax.experimental import pallas as pl
from jax.experimental.pallas import tpu as pltpu
from jax.experimental.pallas import tpu_sc as plsc

D = 128
DW = D // 2
NC = 2
NS = 16
L = 16
NW = NC * NS
EC = 64

_mesh = plsc.VectorSubcoreMesh(
    core_axis_name="c", subcore_axis_name="s", num_cores=NC, num_subcores=NS
)


def _make_sc_agg(n_nodes: int, ch: int, r_pad: int):

    @functools.partial(
        pl.kernel,
        out_type=jax.ShapeDtypeStruct((NC, r_pad, D), jnp.float32),
        mesh=_mesh,
        scratch_types=[
            pltpu.VMEM((ch // 2, 2 * EC), jnp.int32),
            pltpu.VMEM((8, EC), jnp.int32),
            pltpu.VMEM((8, EC), jnp.int32),
            pltpu.VMEM((2, EC, D), jnp.float32),
            pltpu.VMEM((128, D), jnp.float32),
            pltpu.VMEM_SHARED((r_pad, D), jnp.float32),
            pltpu.SemaphoreType.DMA,
            pltpu.SemaphoreType.DMA,
        ],
    )
    def _sc_agg(
        x_hbm, pk_hbm, out_hbm, pk_v, srcb, dstb, rows, zb, acc, sem0, sem1
    ):
        c = lax.axis_index("c")
        s = lax.axis_index("s")
        wid = s * NC + c

        pltpu.sync_copy(pk_hbm.at[wid], pk_v)

        def _zstep(r, _):
            for k in range(D // L):
                zb[r, pl.ds(k * L, L)] = jnp.zeros((L,), jnp.float32)
            return ()

        lax.fori_loop(0, 128, _zstep, ())
        zrows = r_pad // NS
        r0 = s * zrows
        zfull, zrem = divmod(zrows, 128)
        for z in range(zfull):
            pltpu.sync_copy(zb, acc.at[pl.ds(r0 + z * 128, 128)])
        if zrem:
            pltpu.sync_copy(
                zb.at[pl.ds(0, zrem)], acc.at[pl.ds(r0 + zfull * 128, zrem)]
            )
        plsc.subcore_barrier()

        sems = (sem0, sem1)

        def _unpack(row, off, b):
            for k in range(EC // L):
                wz = pk_v[row, pl.ds(off + k * L, L)]
                srcb[b, pl.ds(k * L, L)] = jnp.bitwise_and(wz, 0xFFFF)
                dstb[b, pl.ds(k * L, L)] = jnp.right_shift(wz, 16)

        _unpack(0, 0, 0)
        pltpu.async_copy(x_hbm.at[srcb.at[0]], rows.at[0], sem0)

        def _step(j2, _):
            for b in range(2):
                nb = 1 - b
                nrow = j2 if b == 0 else j2 + 1
                noff = EC if b == 0 else 0

                @pl.when(2 * j2 + b + 1 < ch)
                def _():
                    _unpack(nrow, noff, nb)
                    pltpu.async_copy(
                        x_hbm.at[srcb.at[nb]], rows.at[nb], sems[nb]
                    )

                pltpu.make_async_copy(
                    x_hbm.at[srcb.at[b]], rows.at[b], sems[b]
                ).wait()
                pltpu.sync_copy(rows.at[b], acc.at[dstb.at[b]], add=True)
            return ()

        lax.fori_loop(0, ch // 2, _step, ())
        plsc.subcore_barrier()

        for z in range(zfull):
            pltpu.sync_copy(acc.at[pl.ds(r0 + z * 128, 128)], zb)
            pltpu.sync_copy(zb, out_hbm.at[c, pl.ds(r0 + z * 128, 128)])
        if zrem:
            pltpu.sync_copy(
                acc.at[pl.ds(r0 + zfull * 128, zrem)], zb.at[pl.ds(0, zrem)]
            )
            pltpu.sync_copy(
                zb.at[pl.ds(0, zrem)],
                out_hbm.at[c, pl.ds(r0 + zfull * 128, zrem)],
            )

    return _sc_agg


def _tc_body(p_ref, w_ref, b_ref, o_ref):
    o_ref[...] = (
        jnp.dot(
            p_ref[0] + p_ref[1], w_ref[...], preferred_element_type=jnp.float32
        )
        + b_ref[...]
    )


def _tc_combine(partials, Wp, bias, n_nodes: int):
    bm = 2000
    return pl.pallas_call(
        _tc_body,
        grid=(n_nodes // bm,),
        in_specs=[
            pl.BlockSpec((NC, bm, D), lambda i: (0, i, 0)),
            pl.BlockSpec((D, D), lambda i: (0, 0)),
            pl.BlockSpec((1, D), lambda i: (0, 0)),
        ],
        out_specs=pl.BlockSpec((bm, D), lambda i: (i, 0)),
        out_shape=jax.ShapeDtypeStruct((n_nodes, D), jnp.float32),
    )(partials, Wp, bias.reshape(1, D))


def kernel(x, edge_index, W, bias):
    n = x.shape[0]
    e = edge_index.shape[1]
    src = edge_index[0].astype(jnp.int32)
    dst = edge_index[1].astype(jnp.int32)

    block = NW * EC
    ch = (e + block - 1) // block
    ch += ch % 2
    e_pad = block * ch
    pad = e_pad - e
    src = jnp.concatenate([src, jnp.zeros((pad,), jnp.int32)])
    dst = jnp.concatenate([dst, jnp.full((pad,), n, jnp.int32)])
    packed = jnp.bitwise_or(src, jnp.left_shift(dst, 16))
    pk3 = packed.reshape(NW, ch // 2, 2 * EC)

    r_pad = ((n + 1 + 127) // 128) * 128
    partials = _make_sc_agg(n, ch, r_pad)(x, pk3)
    return _tc_combine(partials, W, bias, n)

# --- scband reference (transcript-rebuilt; emitter-appended) ---
"""Pipeline reference for scband-graph-conv-39840116638415 (READ-ONLY COPY).

The authoritative reference and input builder live on the scoring server;
editing this copy changes nothing except your own understanding.
"""

import jax, jax.numpy as jnp
import numpy as np

N_NODES = 10000
N_EDGES = 320000
D_FEAT = 128

def setup_inputs(seed: int = 0) -> dict:
    key = jax.random.key(seed)
    k1, k2, k3 = jax.random.split(key, 3)
    x = jax.random.normal(k1, (N_NODES, D_FEAT), dtype=jnp.float32)
    edge_index = jax.random.randint(k2, (2, N_EDGES), 0, N_NODES, dtype=jnp.int64)
    # kaiming normal, fan_in mode, a=0 -> std = sqrt(2 / fan_in)
    W = jax.random.normal(k3, (D_FEAT, D_FEAT), dtype=jnp.float32) * jnp.sqrt(2.0 / D_FEAT)
    bias = jnp.zeros((D_FEAT,), dtype=jnp.float32)
    return {"x": x, "edge_index": edge_index, "W": W, "bias": bias}

def reference(x, edge_index, W, bias):
    # support = x @ W  (torch.mm)
    support = jnp.dot(x, W)
    # output = spmm(adj, support): adj is binary COO built from edge_index
    # row i of output accumulates support[j] for every edge (j -> i)
    src = edge_index[0]
    dst = edge_index[1]
    messages = jnp.take(support, src, axis=0)
    output = jax.ops.segment_sum(messages, dst, num_segments=x.shape[0])
    return output + bias

if __name__ == "__main__":
    import jax
    _d = setup_inputs()
    print(jax.jit(kernel)(*tuple(_d.values())))

</pallas_src>

<mosaic_0001>
#map = affine_map<(d0, d1) -> (0, 0)>
#map1 = affine_map<(d0, d1) -> (0, 0, 0)>
module attributes {stable_mosaic.version = 14 : i64} {
  func.func @_sc_agg(%arg0: i32, %arg1: i32, %arg2: memref<10000x128xf32, #tpu.memory_space<hbm>>, %arg3: memref<32x79x128xi32, #tpu.memory_space<hbm>>, %arg4: memref<2x10112x128xf32, #tpu.memory_space<hbm>>, %arg5: memref<79x128xi32, #tpu.memory_space<vmem>>, %arg6: memref<8x64xi32, #tpu.memory_space<vmem>>, %arg7: memref<8x64xi32, #tpu.memory_space<vmem>>, %arg8: memref<2x64x128xf32, #tpu.memory_space<vmem>>, %arg9: memref<128x128xf32, #tpu.memory_space<vmem>>, %arg10: memref<10112x128xf32, #tpu.memory_space<vmem_shared>>, %arg11: memref<!tpu.dma_semaphore, #tpu.memory_space<semaphore_mem>>, %arg12: memref<!tpu.dma_semaphore, #tpu.memory_space<semaphore_mem>>) attributes {dimension_semantics = [#tpu.dimension_semantics<core_parallel>, #tpu.dimension_semantics<subcore_parallel>], iteration_bounds = array<i64: 2, 16>, scalar_prefetch = 0 : i64, scratch_operands = 8 : i64, tpu.core_type = #tpu.core_type<sc_vector_subcore>, window_params = [{transform_indices = #map}, {transform_indices = #map1}, {transform_indices = #map1}]} {
    %mul3A = arith.constant 2 : i32
    %mul3A_0 = arith.muli %arg1, %mul3A : i32
    %add3A = arith.addi %mul3A_0, %arg0 : i32
    "tpu.region"() ({
      %run_scoped3A = tpu.sem_alloc : memref<!tpu.dma_semaphore, #tpu.memory_space<semaphore_mem>>
      %dma_start3A_142 = arith.constant 0 : i32
      %dma_start3A_143 = arith.constant 0 : i32
      %dma_start3A_144 = tpu.memref_slice %arg3[%add3A, %dma_start3A_142, %dma_start3A_143] : memref<32x79x128xi32, #tpu.memory_space<hbm>> -> memref<1x79x128xi32, #tpu.memory_space<hbm>>
      %dma_start3A_145 = tpu.memref_squeeze %dma_start3A_144 : memref<1x79x128xi32, #tpu.memory_space<hbm>> -> memref<79x128xi32, #tpu.memory_space<hbm>>
      %dma_start3A_146 = arith.constant 0 : i32
      %dma_start3A_147 = arith.constant 0 : i32
      %dma_start3A_148 = tpu.memref_slice %arg3[%add3A, %dma_start3A_146, %dma_start3A_147] : memref<32x79x128xi32, #tpu.memory_space<hbm>> -> memref<1x79x128xi32, #tpu.memory_space<hbm>>
      %dma_start3A_149 = tpu.memref_squeeze %dma_start3A_148 : memref<1x79x128xi32, #tpu.memory_space<hbm>> -> memref<79x128xi32, #tpu.memory_space<hbm>>
      tpu.enqueue_dma source(%dma_start3A_149 : memref<79x128xi32, #tpu.memory_space<hbm>>) target(%arg5 : memref<79x128xi32, #tpu.memory_space<vmem>>) target_semaphore(%run_scoped3A : memref<!tpu.dma_semaphore, #tpu.memory_space<semaphore_mem>>)
      %dma_wait3A = arith.constant 0 : i32
      %dma_wait3A_150 = arith.constant 0 : i32
      %dma_wait3A_151 = tpu.memref_slice %arg3[%add3A, %dma_wait3A, %dma_wait3A_150] : memref<32x79x128xi32, #tpu.memory_space<hbm>> -> memref<1x79x128xi32, #tpu.memory_space<hbm>>
      %dma_wait3A_152 = tpu.memref_squeeze %dma_wait3A_151 : memref<1x79x128xi32, #tpu.memory_space<hbm>> -> memref<79x128xi32, #tpu.memory_space<hbm>>
      %dma_wait3A_153 = arith.constant 0 : i32
      %dma_wait3A_154 = arith.constant 0 : i32
      %dma_wait3A_155 = tpu.memref_slice %arg3[%add3A, %dma_wait3A_153, %dma_wait3A_154] : memref<32x79x128xi32, #tpu.memory_space<hbm>> -> memref<1x79x128xi32, #tpu.memory_space<hbm>>
      %dma_wait3A_156 = tpu.memref_squeeze %dma_wait3A_155 : memref<1x79x128xi32, #tpu.memory_space<hbm>> -> memref<79x128xi32, #tpu.memory_space<hbm>>
      tpu.wait_dma2 semaphore(%run_scoped3A : memref<!tpu.dma_semaphore, #tpu.memory_space<semaphore_mem>>) src(%dma_wait3A_156 : memref<79x128xi32, #tpu.memory_space<hbm>>) dst(%arg5 : memref<79x128xi32, #tpu.memory_space<vmem>>)
      tpu.yield
    }) : () -> ()
    %scan3A = arith.constant 0 : i32
    %scan3A_1 = arith.constant 128 : i32
    %scan3A_2 = arith.addi %scan3A, %scan3A_1 : i32
    %scan3A_3 = arith.constant 1 : i32
    scf.for %scan3A_142 = %scan3A to %scan3A_2 step %scan3A_3  : i32 {
      %broadcast_in_dim3A = arith.constant 0.000000e+00 : f32
      %broadcast_in_dim3A_143 = vector.broadcast %broadcast_in_dim3A : f32 to vector<16xf32>
      %swap3A_144 = arith.index_cast %scan3A_142 : i32 to index
      %swap3A_145 = arith.constant 0 : index
      %swap3A_146 = tpu.vector_load %arg9[%swap3A_144, %swap3A_145] {strides = array<i32>} : memref<128x128xf32, #tpu.memory_space<vmem>>, vector<1x16xf32>,
      %swap3A_147 = vector.shape_cast %swap3A_146 : vector<1x16xf32> to vector<16xf32>
      %swap3A_148 = vector.shape_cast %broadcast_in_dim3A_143 : vector<16xf32> to vector<1x16xf32>
      tpu.vector_store %arg9[%swap3A_144, %swap3A_145], %swap3A_148 {strides = array<i32>} : memref<128x128xf32, #tpu.memory_space<vmem>>, vector<1x16xf32>,
      %broadcast_in_dim3A_149 = arith.constant 0.000000e+00 : f32
      %broadcast_in_dim3A_150 = vector.broadcast %broadcast_in_dim3A_149 : f32 to vector<16xf32>
      %swap3A_151 = arith.index_cast %scan3A_142 : i32 to index
      %swap3A_152 = arith.constant 16 : index
      %swap3A_153 = tpu.vector_load %arg9[%swap3A_151, %swap3A_152] {strides = array<i32>} : memref<128x128xf32, #tpu.memory_space<vmem>>, vector<1x16xf32>,
      %swap3A_154 = vector.shape_cast %swap3A_153 : vector<1x16xf32> to vector<16xf32>
      %swap3A_155 = vector.shape_cast %broadcast_in_dim3A_150 : vector<16xf32> to vector<1x16xf32>
      tpu.vector_store %arg9[%swap3A_151, %swap3A_152], %swap3A_155 {strides = array<i32>} : memref<128x128xf32, #tpu.memory_space<vmem>>, vector<1x16xf32>,
      %broadcast_in_dim3A_156 = arith.constant 0.000000e+00 : f32
      %broadcast_in_dim3A_157 = vector.broadcast %broadcast_in_dim3A_156 : f32 to vector<16xf32>
      %swap3A_158 = arith.index_cast %scan3A_142 : i32 to index
      %swap3A_159 = arith.constant 32 : index
      %swap3A_160 = tpu.vector_load %arg9[%swap3A_158, %swap3A_159] {strides = array<i32>} : memref<128x128xf32, #tpu.memory_space<vmem>>, vector<1x16xf32>,
      %swap3A_161 = vector.shape_cast %swap3A_160 : vector<1x16xf32> to vector<16xf32>
      %swap3A_162 = vector.shape_cast %broadcast_in_dim3A_157 : vector<16xf32> to vector<1x16xf32>
      tpu.vector_store %arg9[%swap3A_158, %swap3A_159], %swap3A_162 {strides = array<i32>} : memref<128x128xf32, #tpu.memory_space<vmem>>, vector<1x16xf32>,
      %broadcast_in_dim3A_163 = arith.constant 0.000000e+00 : f32
      %broadcast_in_dim3A_164 = vector.broadcast %broadcast_in_dim3A_163 : f32 to vector<16xf32>
      %swap3A_165 = arith.index_cast %scan3A_142 : i32 to index
      %swap3A_166 = arith.constant 48 : index
      %swap3A_167 = tpu.vector_load %arg9[%swap3A_165, %swap3A_166] {strides = array<i32>} : memref<128x128xf32, #tpu.memory_space<vmem>>, vector<1x16xf32>,
      %swap3A_168 = vector.shape_cast %swap3A_167 : vector<1x16xf32> to vector<16xf32>
      %swap3A_169 = vector.shape_cast %broadcast_in_dim3A_164 : vector<16xf32> to vector<1x16xf32>
      tpu.vector_store %arg9[%swap3A_165, %swap3A_166], %swap3A_169 {strides = array<i32>} : memref<128x128xf32, #tpu.memory_space<vmem>>, vector<1x16xf32>,
      %broadcast_in_dim3A_170 = arith.constant 0.000000e+00 : f32
      %broadcast_in_dim3A_171 = vector.broadcast %broadcast_in_dim3A_170 : f32 to vector<16xf32>
      %swap3A_172 = arith.index_cast %scan3A_142 : i32 to index
      %swap3A_173 = arith.constant 64 : index
      %swap3A_174 = tpu.vector_load %arg9[%swap3A_172, %swap3A_173] {strides = array<i32>} : memref<128x128xf32, #tpu.memory_space<vmem>>, vector<1x16xf32>,
      %swap3A_175 = vector.shape_cast %swap3A_174 : vector<1x16xf32> to vector<16xf32>
      %swap3A_176 = vector.shape_cast %broadcast_in_dim3A_171 : vector<16xf32> to vector<1x16xf32>
      tpu.vector_store %arg9[%swap3A_172, %swap3A_173], %swap3A_176 {strides = array<i32>} : memref<128x128xf32, #tpu.memory_space<vmem>>, vector<1x16xf32>,
      %broadcast_in_dim3A_177 = arith.constant 0.000000e+00 : f32
      %broadcast_in_dim3A_178 = vector.broadcast %broadcast_in_dim3A_177 : f32 to vector<16xf32>
      %swap3A_179 = arith.index_cast %scan3A_142 : i32 to index
      %swap3A_180 = arith.constant 80 : index
      %swap3A_181 = tpu.vector_load %arg9[%swap3A_179, %swap3A_180] {strides = array<i32>} : memref<128x128xf32, #tpu.memory_space<vmem>>, vector<1x16xf32>,
      %swap3A_182 = vector.shape_cast %swap3A_181 : vector<1x16xf32> to vector<16xf32>
      %swap3A_183 = vector.shape_cast %broadcast_in_dim3A_178 : vector<16xf32> to vector<1x16xf32>
      tpu.vector_store %arg9[%swap3A_179, %swap3A_180], %swap3A_183 {strides = array<i32>} : memref<128x128xf32, #tpu.memory_space<vmem>>, vector<1x16xf32>,
      %broadcast_in_dim3A_184 = arith.constant 0.000000e+00 : f32
      %broadcast_in_dim3A_185 = vector.broadcast %broadcast_in_dim3A_184 : f32 to vector<16xf32>
      %swap3A_186 = arith.index_cast %scan3A_142 : i32 to index
      %swap3A_187 = arith.constant 96 : index
      %swap3A_188 = tpu.vector_load %arg9[%swap3A_186, %swap3A_187] {strides = array<i32>} : memref<128x128xf32, #tpu.memory_space<vmem>>, vector<1x16xf32>,
      %swap3A_189 = vector.shape_cast %swap3A_188 : vector<1x16xf32> to vector<16xf32>
      %swap3A_190 = vector.shape_cast %broadcast_in_dim3A_185 : vector<16xf32> to vector<1x16xf32>
      tpu.vector_store %arg9[%swap3A_186, %swap3A_187], %swap3A_190 {strides = array<i32>} : memref<128x128xf32, #tpu.memory_space<vmem>>, vector<1x16xf32>,
      %broadcast_in_dim3A_191 = arith.constant 0.000000e+00 : f32
      %broadcast_in_dim3A_192 = vector.broadcast %broadcast_in_dim3A_191 : f32 to vector<16xf32>
      %swap3A_193 = arith.index_cast %scan3A_142 : i32 to index
      %swap3A_194 = arith.constant 112 : index
      %swap3A_195 = tpu.vector_load %arg9[%swap3A_193, %swap3A_194] {strides = array<i32>} : memref<128x128xf32, #tpu.memory_space<vmem>>, vector<1x16xf32>,
      %swap3A_196 = vector.shape_cast %swap3A_195 : vector<1x16xf32> to vector<16xf32>
      %swap3A_197 = vector.shape_cast %broadcast_in_dim3A_192 : vector<16xf32> to vector<1x16xf32>
      tpu.vector_store %arg9[%swap3A_193, %swap3A_194], %swap3A_197 {strides = array<i32>} : memref<128x128xf32, #tpu.memory_space<vmem>>, vector<1x16xf32>,
    }
    %scan3A_4 = arith.constant 128 : i32
    %mul3A_5 = arith.constant 632 : i32
    %mul3A_6 = arith.muli %arg1, %mul3A_5 : i32
    %add3A_7 = arith.constant 0 : i32
    %add3A_8 = arith.addi %mul3A_6, %add3A_7 : i32
    "tpu.region"() ({
      %run_scoped3A = tpu.sem_alloc : memref<!tpu.dma_semaphore, #tpu.memory_space<semaphore_mem>>
      %dma_start3A_142 = arith.constant 0 : i32
      %dma_start3A_143 = tpu.memref_slice %arg10[%add3A_8, %dma_start3A_142] : memref<10112x128xf32, #tpu.memory_space<vmem_shared>> -> memref<128x128xf32, #tpu.memory_space<vmem_shared>>
      %dma_start3A_144 = arith.constant 0 : i32
      %dma_start3A_145 = tpu.memref_slice %arg10[%add3A_8, %dma_start3A_144] : memref<10112x128xf32, #tpu.memory_space<vmem_shared>> -> memref<128x128xf32, #tpu.memory_space<vmem_shared>>
      tpu.enqueue_dma source(%arg9 : memref<128x128xf32, #tpu.memory_space<vmem>>) target(%dma_start3A_145 : memref<128x128xf32, #tpu.memory_space<vmem_shared>>) target_semaphore(%run_scoped3A : memref<!tpu.dma_semaphore, #tpu.memory_space<semaphore_mem>>)
      %dma_wait3A = arith.constant 0 : i32
      %dma_wait3A_146 = tpu.memref_slice %arg10[%add3A_8, %dma_wait3A] : memref<10112x128xf32, #tpu.memory_space<vmem_shared>> -> memref<128x128xf32, #tpu.memory_space<vmem_shared>>
      %dma_wait3A_147 = arith.constant 0 : i32
      %dma_wait3A_148 = tpu.memref_slice %arg10[%add3A_8, %dma_wait3A_147] : memref<10112x128xf32, #tpu.memory_space<vmem_shared>> -> memref<128x128xf32, #tpu.memory_space<vmem_shared>>
      tpu.wait_dma2 semaphore(%run_scoped3A : memref<!tpu.dma_semaphore, #tpu.memory_space<semaphore_mem>>) src(%arg9 : memref<128x128xf32, #tpu.memory_space<vmem>>) dst(%dma_wait3A_148 : memref<128x128xf32, #tpu.memory_space<vmem_shared>>)
      tpu.yield
    }) : () -> ()
    %add3A_9 = arith.constant 128 : i32
    %add3A_10 = arith.addi %mul3A_6, %add3A_9 : i32
    "tpu.region"() ({
      %run_scoped3A = tpu.sem_alloc : memref<!tpu.dma_semaphore, #tpu.memory_space<semaphore_mem>>
      %dma_start3A_142 = arith.constant 0 : i32
      %dma_start3A_143 = tpu.memref_slice %arg10[%add3A_10, %dma_start3A_142] : memref<10112x128xf32, #tpu.memory_space<vmem_shared>> -> memref<128x128xf32, #tpu.memory_space<vmem_shared>>
      %dma_start3A_144 = arith.constant 0 : i32
      %dma_start3A_145 = tpu.memref_slice %arg10[%add3A_10, %dma_start3A_144] : memref<10112x128xf32, #tpu.memory_space<vmem_shared>> -> memref<128x128xf32, #tpu.memory_space<vmem_shared>>
      tpu.enqueue_dma source(%arg9 : memref<128x128xf32, #tpu.memory_space<vmem>>) target(%dma_start3A_145 : memref<128x128xf32, #tpu.memory_space<vmem_shared>>) target_semaphore(%run_scoped3A : memref<!tpu.dma_semaphore, #tpu.memory_space<semaphore_mem>>)
      %dma_wait3A = arith.constant 0 : i32
      %dma_wait3A_146 = tpu.memref_slice %arg10[%add3A_10, %dma_wait3A] : memref<10112x128xf32, #tpu.memory_space<vmem_shared>> -> memref<128x128xf32, #tpu.memory_space<vmem_shared>>
      %dma_wait3A_147 = arith.constant 0 : i32
      %dma_wait3A_148 = tpu.memref_slice %arg10[%add3A_10, %dma_wait3A_147] : memref<10112x128xf32, #tpu.memory_space<vmem_shared>> -> memref<128x128xf32, #tpu.memory_space<vmem_shared>>
      tpu.wait_dma2 semaphore(%run_scoped3A : memref<!tpu.dma_semaphore, #tpu.memory_space<semaphore_mem>>) src(%arg9 : memref<128x128xf32, #tpu.memory_space<vmem>>) dst(%dma_wait3A_148 : memref<128x128xf32, #tpu.memory_space<vmem_shared>>)
      tpu.yield
    }) : () -> ()
    %add3A_11 = arith.constant 256 : i32
    %add3A_12 = arith.addi %mul3A_6, %add3A_11 : i32
    "tpu.region"() ({
      %run_scoped3A = tpu.sem_alloc : memref<!tpu.dma_semaphore, #tpu.memory_space<semaphore_mem>>
      %dma_start3A_142 = arith.constant 0 : i32
      %dma_start3A_143 = tpu.memref_slice %arg10[%add3A_12, %dma_start3A_142] : memref<10112x128xf32, #tpu.memory_space<vmem_shared>> -> memref<128x128xf32, #tpu.memory_space<vmem_shared>>
      %dma_start3A_144 = arith.constant 0 : i32
      %dma_start3A_145 = tpu.memref_slice %arg10[%add3A_12, %dma_start3A_144] : memref<10112x128xf32, #tpu.memory_space<vmem_shared>> -> memref<128x128xf32, #tpu.memory_space<vmem_shared>>
      tpu.enqueue_dma source(%arg9 : memref<128x128xf32, #tpu.memory_space<vmem>>) target(%dma_start3A_145 : memref<128x128xf32, #tpu.memory_space<vmem_shared>>) target_semaphore(%run_scoped3A : memref<!tpu.dma_semaphore, #tpu.memory_space<semaphore_mem>>)
      %dma_wait3A = arith.constant 0 : i32
      %dma_wait3A_146 = tpu.memref_slice %arg10[%add3A_12, %dma_wait3A] : memref<10112x128xf32, #tpu.memory_space<vmem_shared>> -> memref<128x128xf32, #tpu.memory_space<vmem_shared>>
      %dma_wait3A_147 = arith.constant 0 : i32
      %dma_wait3A_148 = tpu.memref_slice %arg10[%add3A_12, %dma_wait3A_147] : memref<10112x128xf32, #tpu.memory_space<vmem_shared>> -> memref<128x128xf32, #tpu.memory_space<vmem_shared>>
      tpu.wait_dma2 semaphore(%run_scoped3A : memref<!tpu.dma_semaphore, #tpu.memory_space<semaphore_mem>>) src(%arg9 : memref<128x128xf32, #tpu.memory_space<vmem>>) dst(%dma_wait3A_148 : memref<128x128xf32, #tpu.memory_space<vmem_shared>>)
      tpu.yield
    }) : () -> ()
    %add3A_13 = arith.constant 384 : i32
    %add3A_14 = arith.addi %mul3A_6, %add3A_13 : i32
    "tpu.region"() ({
      %run_scoped3A = tpu.sem_alloc : memref<!tpu.dma_semaphore, #tpu.memory_space<semaphore_mem>>
      %dma_start3A_142 = arith.constant 0 : i32
      %dma_start3A_143 = tpu.memref_slice %arg10[%add3A_14, %dma_start3A_142] : memref<10112x128xf32, #tpu.memory_space<vmem_shared>> -> memref<128x128xf32, #tpu.memory_space<vmem_shared>>
      %dma_start3A_144 = arith.constant 0 : i32
      %dma_start3A_145 = tpu.memref_slice %arg10[%add3A_14, %dma_start3A_144] : memref<10112x128xf32, #tpu.memory_space<vmem_shared>> -> memref<128x128xf32, #tpu.memory_space<vmem_shared>>
      tpu.enqueue_dma source(%arg9 : memref<128x128xf32, #tpu.memory_space<vmem>>) target(%dma_start3A_145 : memref<128x128xf32, #tpu.memory_space<vmem_shared>>) target_semaphore(%run_scoped3A : memref<!tpu.dma_semaphore, #tpu.memory_space<semaphore_mem>>)
      %dma_wait3A = arith.constant 0 : i32
      %dma_wait3A_146 = tpu.memref_slice %arg10[%add3A_14, %dma_wait3A] : memref<10112x128xf32, #tpu.memory_space<vmem_shared>> -> memref<128x128xf32, #tpu.memory_space<vmem_shared>>
      %dma_wait3A_147 = arith.constant 0 : i32
      %dma_wait3A_148 = tpu.memref_slice %arg10[%add3A_14, %dma_wait3A_147] : memref<10112x128xf32, #tpu.memory_space<vmem_shared>> -> memref<128x128xf32, #tpu.memory_space<vmem_shared>>
      tpu.wait_dma2 semaphore(%run_scoped3A : memref<!tpu.dma_semaphore, #tpu.memory_space<semaphore_mem>>) src(%arg9 : memref<128x128xf32, #tpu.memory_space<vmem>>) dst(%dma_wait3A_148 : memref<128x128xf32, #tpu.memory_space<vmem_shared>>)
      tpu.yield
    }) : () -> ()
    %add3A_15 = arith.constant 512 : i32
    %add3A_16 = arith.addi %mul3A_6, %add3A_15 : i32
    "tpu.region"() ({
      %run_scoped3A = tpu.sem_alloc : memref<!tpu.dma_semaphore, #tpu.memory_space<semaphore_mem>>
      %dma_start3A_142 = arith.constant 0 : i32
      %dma_start3A_143 = arith.constant 0 : i32
      %dma_start3A_144 = tpu.memref_slice %arg9[%dma_start3A_142, %dma_start3A_143] : memref<128x128xf32, #tpu.memory_space<vmem>> -> memref<120x128xf32, #tpu.memory_space<vmem>>
      %dma_start3A_145 = arith.constant 0 : i32
      %dma_start3A_146 = tpu.memref_slice %arg10[%add3A_16, %dma_start3A_145] : memref<10112x128xf32, #tpu.memory_space<vmem_shared>> -> memref<120x128xf32, #tpu.memory_space<vmem_shared>>
      %dma_start3A_147 = arith.constant 0 : i32
      %dma_start3A_148 = tpu.memref_slice %arg10[%add3A_16, %dma_start3A_147] : memref<10112x128xf32, #tpu.memory_space<vmem_shared>> -> memref<120x128xf32, #tpu.memory_space<vmem_shared>>
      %dma_start3A_149 = arith.constant 0 : i32
      %dma_start3A_150 = arith.constant 0 : i32
      %dma_start3A_151 = tpu.memref_slice %arg9[%dma_start3A_149, %dma_start3A_150] : memref<128x128xf32, #tpu.memory_space<vmem>> -> memref<120x128xf32, #tpu.memory_space<vmem>>
      tpu.enqueue_dma source(%dma_start3A_151 : memref<120x128xf32, #tpu.memory_space<vmem>>) target(%dma_start3A_148 : memref<120x128xf32, #tpu.memory_space<vmem_shared>>) target_semaphore(%run_scoped3A : memref<!tpu.dma_semaphore, #tpu.memory_space<semaphore_mem>>)
      %dma_wait3A = arith.constant 0 : i32
      %dma_wait3A_152 = arith.constant 0 : i32
      %dma_wait3A_153 = tpu.memref_slice %arg9[%dma_wait3A, %dma_wait3A_152] : memref<128x128xf32, #tpu.memory_space<vmem>> -> memref<120x128xf32, #tpu.memory_space<vmem>>
      %dma_wait3A_154 = arith.constant 0 : i32
      %dma_wait3A_155 = tpu.memref_slice %arg10[%add3A_16, %dma_wait3A_154] : memref<10112x128xf32, #tpu.memory_space<vmem_shared>> -> memref<120x128xf32, #tpu.memory_space<vmem_shared>>
      %dma_wait3A_156 = arith.constant 0 : i32
      %dma_wait3A_157 = tpu.memref_slice %arg10[%add3A_16, %dma_wait3A_156] : memref<10112x128xf32, #tpu.memory_space<vmem_shared>> -> memref<120x128xf32, #tpu.memory_space<vmem_shared>>
      %dma_wait3A_158 = arith.constant 0 : i32
      %dma_wait3A_159 = arith.constant 0 : i32
      %dma_wait3A_160 = tpu.memref_slice %arg9[%dma_wait3A_158, %dma_wait3A_159] : memref<128x128xf32, #tpu.memory_space<vmem>> -> memref<120x128xf32, #tpu.memory_space<vmem>>
      tpu.wait_dma2 semaphore(%run_scoped3A : memref<!tpu.dma_semaphore, #tpu.memory_space<semaphore_mem>>) src(%dma_wait3A_160 : memref<120x128xf32, #tpu.memory_space<vmem>>) dst(%dma_wait3A_157 : memref<120x128xf32, #tpu.memory_space<vmem_shared>>)
      tpu.yield
    }) : () -> ()
    %barrier3A = arith.constant 0 : index
    tpu.barrier barrier_id(%barrier3A)
    %get3A = arith.constant 0 : i32
    %get3A_17 = arith.index_cast %get3A : i32 to index
    %get3A_18 = arith.constant 0 : index
    %get3A_19 = tpu.vector_load %arg5[%get3A_17, %get3A_18] {strides = array<i32>} : memref<79x128xi32, #tpu.memory_space<vmem>>, vector<1x16xi32>,
    %get3A_20 = vector.shape_cast %get3A_19 : vector<1x16xi32> to vector<16xi32>
    %and3A = arith.constant 65535 : i32
    %and3A_21 = vector.broadcast %and3A : i32 to vector<16xi32>
    %and3A_22 = arith.andi %get3A_20, %and3A_21 : vector<16xi32>
    %swap3A = arith.constant 0 : i32
    %swap3A_23 = arith.index_cast %swap3A : i32 to index
    %swap3A_24 = arith.constant 0 : index
    %swap3A_25 = tpu.vector_load %arg6[%swap3A_23, %swap3A_24] {strides = array<i32>} : memref<8x64xi32, #tpu.memory_space<vmem>>, vector<1x16xi32>,
    %swap3A_26 = vector.shape_cast %swap3A_25 : vector<1x16xi32> to vector<16xi32>
    %swap3A_27 = vector.shape_cast %and3A_22 : vector<16xi32> to vector<1x16xi32>
    tpu.vector_store %arg6[%swap3A_23, %swap3A_24], %swap3A_27 {strides = array<i32>} : memref<8x64xi32, #tpu.memory_space<vmem>>, vector<1x16xi32>,
    %shift_right_arithmetic3A = arith.constant 16 : i32
    %shift_right_arithmetic3A_28 = vector.broadcast %shift_right_arithmetic3A : i32 to vector<16xi32>
    %shift_right_arithmetic3A_29 = arith.shrsi %get3A_20, %shift_right_arithmetic3A_28 : vector<16xi32>
    %swap3A_30 = arith.constant 0 : i32
    %swap3A_31 = arith.index_cast %swap3A_30 : i32 to index
    %swap3A_32 = arith.constant 0 : index
    %swap3A_33 = tpu.vector_load %arg7[%swap3A_31, %swap3A_32] {strides = array<i32>} : memref<8x64xi32, #tpu.memory_space<vmem>>, vector<1x16xi32>,
    %swap3A_34 = vector.shape_cast %swap3A_33 : vector<1x16xi32> to vector<16xi32>
    %swap3A_35 = vector.shape_cast %shift_right_arithmetic3A_29 : vector<16xi32> to vector<1x16xi32>
    tpu.vector_store %arg7[%swap3A_31, %swap3A_32], %swap3A_35 {strides = array<i32>} : memref<8x64xi32, #tpu.memory_space<vmem>>, vector<1x16xi32>,
    %get3A_36 = arith.constant 0 : i32
    %get3A_37 = arith.index_cast %get3A_36 : i32 to index
    %get3A_38 = arith.constant 16 : index
    %get3A_39 = tpu.vector_load %arg5[%get3A_37, %get3A_38] {strides = array<i32>} : memref<79x128xi32, #tpu.memory_space<vmem>>, vector<1x16xi32>,
    %get3A_40 = vector.shape_cast %get3A_39 : vector<1x16xi32> to vector<16xi32>
    %and3A_41 = arith.constant 65535 : i32
    %and3A_42 = vector.broadcast %and3A_41 : i32 to vector<16xi32>
    %and3A_43 = arith.andi %get3A_40, %and3A_42 : vector<16xi32>
    %swap3A_44 = arith.constant 0 : i32
    %swap3A_45 = arith.index_cast %swap3A_44 : i32 to index
    %swap3A_46 = arith.constant 16 : index
    %swap3A_47 = tpu.vector_load %arg6[%swap3A_45, %swap3A_46] {strides = array<i32>} : memref<8x64xi32, #tpu.memory_space<vmem>>, vector<1x16xi32>,
    %swap3A_48 = vector.shape_cast %swap3A_47 : vector<1x16xi32> to vector<16xi32>
    %swap3A_49 = vector.shape_cast %and3A_43 : vector<16xi32> to vector<1x16xi32>
    tpu.vector_store %arg6[%swap3A_45, %swap3A_46], %swap3A_49 {strides = array<i32>} : memref<8x64xi32, #tpu.memory_space<vmem>>, vector<1x16xi32>,
    %shift_right_arithmetic3A_50 = arith.constant 16 : i32
    %shift_right_arithmetic3A_51 = vector.broadcast %shift_right_arithmetic3A_50 : i32 to vector<16xi32>
    %shift_right_arithmetic3A_52 = arith.shrsi %get3A_40, %shift_right_arithmetic3A_51 : vector<16xi32>
    %swap3A_53 = arith.constant 0 : i32
    %swap3A_54 = arith.index_cast %swap3A_53 : i32 to index
    %swap3A_55 = arith.constant 16 : index
    %swap3A_56 = tpu.vector_load %arg7[%swap3A_54, %swap3A_55] {strides = array<i32>} : memref<8x64xi32, #tpu.memory_space<vmem>>, vector<1x16xi32>,
    %swap3A_57 = vector.shape_cast %swap3A_56 : vector<1x16xi32> to vector<16xi32>
    %swap3A_58 = vector.shape_cast %shift_right_arithmetic3A_52 : vector<16xi32> to vector<1x16xi32>
    tpu.vector_store %arg7[%swap3A_54, %swap3A_55], %swap3A_58 {strides = array<i32>} : memref<8x64xi32, #tpu.memory_space<vmem>>, vector<1x16xi32>,
    %get3A_59 = arith.constant 0 : i32
    %get3A_60 = arith.index_cast %get3A_59 : i32 to index
    %get3A_61 = arith.constant 32 : index
    %get3A_62 = tpu.vector_load %arg5[%get3A_60, %get3A_61] {strides = array<i32>} : memref<79x128xi32, #tpu.memory_space<vmem>>, vector<1x16xi32>,
    %get3A_63 = vector.shape_cast %get3A_62 : vector<1x16xi32> to vector<16xi32>
    %and3A_64 = arith.constant 65535 : i32
    %and3A_65 = vector.broadcast %and3A_64 : i32 to vector<16xi32>
    %and3A_66 = arith.andi %get3A_63, %and3A_65 : vector<16xi32>
    %swap3A_67 = arith.constant 0 : i32
    %swap3A_68 = arith.index_cast %swap3A_67 : i32 to index
    %swap3A_69 = arith.constant 32 : index
    %swap3A_70 = tpu.vector_load %arg6[%swap3A_68, %swap3A_69] {strides = array<i32>} : memref<8x64xi32, #tpu.memory_space<vmem>>, vector<1x16xi32>,
    %swap3A_71 = vector.shape_cast %swap3A_70 : vector<1x16xi32> to vector<16xi32>
    %swap3A_72 = vector.shape_cast %and3A_66 : vector<16xi32> to vector<1x16xi32>
    tpu.vector_store %arg6[%swap3A_68, %swap3A_69], %swap3A_72 {strides = array<i32>} : memref<8x64xi32, #tpu.memory_space<vmem>>, vector<1x16xi32>,
    %shift_right_arithmetic3A_73 = arith.constant 16 : i32
    %shift_right_arithmetic3A_74 = vector.broadcast %shift_right_arithmetic3A_73 : i32 to vector<16xi32>
    %shift_right_arithmetic3A_75 = arith.shrsi %get3A_63, %shift_right_arithmetic3A_74 : vector<16xi32>
    %swap3A_76 = arith.constant 0 : i32
    %swap3A_77 = arith.index_cast %swap3A_76 : i32 to index
    %swap3A_78 = arith.constant 32 : index
    %swap3A_79 = tpu.vector_load %arg7[%swap3A_77, %swap3A_78] {strides = array<i32>} : memref<8x64xi32, #tpu.memory_space<vmem>>, vector<1x16xi32>,
    %swap3A_80 = vector.shape_cast %swap3A_79 : vector<1x16xi32> to vector<16xi32>
    %swap3A_81 = vector.shape_cast %shift_right_arithmetic3A_75 : vector<16xi32> to vector<1x16xi32>
    tpu.vector_store %arg7[%swap3A_77, %swap3A_78], %swap3A_81 {strides = array<i32>} : memref<8x64xi32, #tpu.memory_space<vmem>>, vector<1x16xi32>,
    %get3A_82 = arith.constant 0 : i32
    %get3A_83 = arith.index_cast %get3A_82 : i32 to index
    %get3A_84 = arith.constant 48 : index
    %get3A_85 = tpu.vector_load %arg5[%get3A_83, %get3A_84] {strides = array<i32>} : memref<79x128xi32, #tpu.memory_space<vmem>>, vector<1x16xi32>,
    %get3A_86 = vector.shape_cast %get3A_85 : vector<1x16xi32> to vector<16xi32>
    %and3A_87 = arith.constant 65535 : i32
    %and3A_88 = vector.broadcast %and3A_87 : i32 to vector<16xi32>
    %and3A_89 = arith.andi %get3A_86, %and3A_88 : vector<16xi32>
    %swap3A_90 = arith.constant 0 : i32
    %swap3A_91 = arith.index_cast %swap3A_90 : i32 to index
    %swap3A_92 = arith.constant 48 : index
    %swap3A_93 = tpu.vector_load %arg6[%swap3A_91, %swap3A_92] {strides = array<i32>} : memref<8x64xi32, #tpu.memory_space<vmem>>, vector<1x16xi32>,
    %swap3A_94 = vector.shape_cast %swap3A_93 : vector<1x16xi32> to vector<16xi32>
    %swap3A_95 = vector.shape_cast %and3A_89 : vector<16xi32> to vector<1x16xi32>
    tpu.vector_store %arg6[%swap3A_91, %swap3A_92], %swap3A_95 {strides = array<i32>} : memref<8x64xi32, #tpu.memory_space<vmem>>, vector<1x16xi32>,
    %shift_right_arithmetic3A_96 = arith.constant 16 : i32
    %shift_right_arithmetic3A_97 = vector.broadcast %shift_right_arithmetic3A_96 : i32 to vector<16xi32>
    %shift_right_arithmetic3A_98 = arith.shrsi %get3A_86, %shift_right_arithmetic3A_97 : vector<16xi32>
    %swap3A_99 = arith.constant 0 : i32
    %swap3A_100 = arith.index_cast %swap3A_99 : i32 to index
    %swap3A_101 = arith.constant 48 : index
    %swap3A_102 = tpu.vector_load %arg7[%swap3A_100, %swap3A_101] {strides = array<i32>} : memref<8x64xi32, #tpu.memory_space<vmem>>, vector<1x16xi32>,
    %swap3A_103 = vector.shape_cast %swap3A_102 : vector<1x16xi32> to vector<16xi32>
    %swap3A_104 = vector.shape_cast %shift_right_arithmetic3A_98 : vector<16xi32> to vector<1x16xi32>
    tpu.vector_store %arg7[%swap3A_100, %swap3A_101], %swap3A_104 {strides = array<i32>} : memref<8x64xi32, #tpu.memory_space<vmem>>, vector<1x16xi32>,
    %dma_start3A = arith.constant 0 : i32
    %dma_start3A_105 = arith.constant 0 : i32
    %dma_start3A_106 = arith.constant 0 : i32
    %dma_start3A_107 = arith.constant 0 : i32
    %dma_start3A_108 = tpu.memref_slice %arg8[%dma_start3A_105, %dma_start3A_106, %dma_start3A_107] : memref<2x64x128xf32, #tpu.memory_space<vmem>> -> memref<1x64x128xf32, #tpu.memory_space<vmem>>
    %dma_start3A_109 = tpu.memref_squeeze %dma_start3A_108 : memref<1x64x128xf32, #tpu.memory_space<vmem>> -> memref<64x128xf32, #tpu.memory_space<vmem>>
    %dma_start3A_110 = arith.constant 0 : i32
    %dma_start3A_111 = tpu.memref_slice %arg6[%dma_start3A, %dma_start3A_110] : memref<8x64xi32, #tpu.memory_space<vmem>> -> memref<1x64xi32, #tpu.memory_space<vmem>>
    %dma_start3A_112 = tpu.memref_squeeze %dma_start3A_111 : memref<1x64xi32, #tpu.memory_space<vmem>> -> memref<64xi32, #tpu.memory_space<vmem>>
    %dma_start3A_113 = arith.constant 0 : i32
    %dma_start3A_114 = arith.constant 0 : i32
    %dma_start3A_115 = tpu.memref_slice %arg2[%dma_start3A_113, %dma_start3A_114] : memref<10000x128xf32, #tpu.memory_space<hbm>> -> memref<10000x128xf32, #tpu.memory_space<hbm>>
    tpu.enqueue_indirect_dma source(%dma_start3A_115 : memref<10000x128xf32, #tpu.memory_space<hbm>>) target(%dma_start3A_109 : memref<64x128xf32, #tpu.memory_space<vmem>>) offsets(%dma_start3A_112 : memref<64xi32, #tpu.memory_space<vmem>>) semaphore(%arg11 : memref<!tpu.dma_semaphore, #tpu.memory_space<semaphore_mem>>)
    %scan3A_116 = arith.constant 0 : i32
    %scan3A_117 = arith.constant 79 : i32
    %scan3A_118 = arith.addi %scan3A_116, %scan3A_117 : i32
    %scan3A_119 = arith.constant 1 : i32
    scf.for %scan3A_142 = %scan3A_116 to %scan3A_118 step %scan3A_119  : i32 {
      %mul3A_143 = arith.constant 2 : i32
      %mul3A_144 = arith.muli %mul3A_143, %scan3A_142 : i32
      %add3A_145 = arith.constant 0 : i32
      %add3A_146 = arith.addi %mul3A_144, %add3A_145 : i32
      %add3A_147 = arith.constant 1 : i32
      %add3A_148 = arith.addi %add3A_146, %add3A_147 : i32
      %lt3A = arith.constant 158 : i32
      %lt3A_149 = arith.cmpi slt, %add3A_148, %lt3A : i32
      %convert_element_type3A = arith.extui %lt3A_149 : i1 to i32
      %cond3A = arith.constant 0 : i32
      %cond3A_150 = arith.cmpi ne, %convert_element_type3A, %cond3A : i32
      scf.if %cond3A_150 {
        %get3A_190 = arith.index_cast %scan3A_142 : i32 to index
        %get3A_191 = arith.constant 64 : index
        %get3A_192 = tpu.vector_load %arg5[%get3A_190, %get3A_191] {strides = array<i32>} : memref<79x128xi32, #tpu.memory_space<vmem>>, vector<1x16xi32>,
        %get3A_193 = vector.shape_cast %get3A_192 : vector<1x16xi32> to vector<16xi32>
        %and3A_194 = arith.constant 65535 : i32
        %and3A_195 = vector.broadcast %and3A_194 : i32 to vector<16xi32>
        %and3A_196 = arith.andi %get3A_193, %and3A_195 : vector<16xi32>
        %swap3A_197 = arith.constant 1 : i32
        %swap3A_198 = arith.index_cast %swap3A_197 : i32 to index
        %swap3A_199 = arith.constant 0 : index
        %swap3A_200 = tpu.vector_load %arg6[%swap3A_198, %swap3A_199] {strides = array<i32>} : memref<8x64xi32, #tpu.memory_space<vmem>>, vector<1x16xi32>,
        %swap3A_201 = vector.shape_cast %swap3A_200 : vector<1x16xi32> to vector<16xi32>
        %swap3A_202 = vector.shape_cast %and3A_196 : vector<16xi32> to vector<1x16xi32>
        tpu.vector_store %arg6[%swap3A_198, %swap3A_199], %swap3A_202 {strides = array<i32>} : memref<8x64xi32, #tpu.memory_space<vmem>>, vector<1x16xi32>,
        %shift_right_arithmetic3A_203 = arith.constant 16 : i32
        %shift_right_arithmetic3A_204 = vector.broadcast %shift_right_arithmetic3A_203 : i32 to vector<16xi32>
        %shift_right_arithmetic3A_205 = arith.shrsi %get3A_193, %shift_right_arithmetic3A_204 : vector<16xi32>
        %swap3A_206 = arith.constant 1 : i32
        %swap3A_207 = arith.index_cast %swap3A_206 : i32 to index
        %swap3A_208 = arith.constant 0 : index
        %swap3A_209 = tpu.vector_load %arg7[%swap3A_207, %swap3A_208] {strides = array<i32>} : memref<8x64xi32, #tpu.memory_space<vmem>>, vector<1x16xi32>,
        %swap3A_210 = vector.shape_cast %swap3A_209 : vector<1x16xi32> to vector<16xi32>
        %swap3A_211 = vector.shape_cast %shift_right_arithmetic3A_205 : vector<16xi32> to vector<1x16xi32>
        tpu.vector_store %arg7[%swap3A_207, %swap3A_208], %swap3A_211 {strides = array<i32>} : memref<8x64xi32, #tpu.memory_space<vmem>>, vector<1x16xi32>,
        %get3A_212 = arith.index_cast %scan3A_142 : i32 to index
        %get3A_213 = arith.constant 80 : index
        %get3A_214 = tpu.vector_load %arg5[%get3A_212, %get3A_213] {strides = array<i32>} : memref<79x128xi32, #tpu.memory_space<vmem>>, vector<1x16xi32>,
        %get3A_215 = vector.shape_cast %get3A_214 : vector<1x16xi32> to vector<16xi32>
        %and3A_216 = arith.constant 65535 : i32
        %and3A_217 = vector.broadcast %and3A_216 : i32 to vector<16xi32>
        %and3A_218 = arith.andi %get3A_215, %and3A_217 : vector<16xi32>
        %swap3A_219 = arith.constant 1 : i32
        %swap3A_220 = arith.index_cast %swap3A_219 : i32 to index
        %swap3A_221 = arith.constant 16 : index
        %swap3A_222 = tpu.vector_load %arg6[%swap3A_220, %swap3A_221] {strides = array<i32>} : memref<8x64xi32, #tpu.memory_space<vmem>>, vector<1x16xi32>,
        %swap3A_223 = vector.shape_cast %swap3A_222 : vector<1x16xi32> to vector<16xi32>
        %swap3A_224 = vector.shape_cast %and3A_218 : vector<16xi32> to vector<1x16xi32>
        tpu.vector_store %arg6[%swap3A_220, %swap3A_221], %swap3A_224 {strides = array<i32>} : memref<8x64xi32, #tpu.memory_space<vmem>>, vector<1x16xi32>,
        %shift_right_arithmetic3A_225 = arith.constant 16 : i32
        %shift_right_arithmetic3A_226 = vector.broadcast %shift_right_arithmetic3A_225 : i32 to vector<16xi32>
        %shift_right_arithmetic3A_227 = arith.shrsi %get3A_215, %shift_right_arithmetic3A_226 : vector<16xi32>
        %swap3A_228 = arith.constant 1 : i32
        %swap3A_229 = arith.index_cast %swap3A_228 : i32 to index
        %swap3A_230 = arith.constant 16 : index
        %swap3A_231 = tpu.vector_load %arg7[%swap3A_229, %swap3A_230] {strides = array<i32>} : memref<8x64xi32, #tpu.memory_space<vmem>>, vector<1x16xi32>,
        %swap3A_232 = vector.shape_cast %swap3A_231 : vector<1x16xi32> to vector<16xi32>
        %swap3A_233 = vector.shape_cast %shift_right_arithmetic3A_227 : vector<16xi32> to vector<1x16xi32>
        tpu.vector_store %arg7[%swap3A_229, %swap3A_230], %swap3A_233 {strides = array<i32>} : memref<8x64xi32, #tpu.memory_space<vmem>>, vector<1x16xi32>,
        %get3A_234 = arith.index_cast %scan3A_142 : i32 to index
        %get3A_235 = arith.constant 96 : index
        %get3A_236 = tpu.vector_load %arg5[%get3A_234, %get3A_235] {strides = array<i32>} : memref<79x128xi32, #tpu.memory_space<vmem>>, vector<1x16xi32>,
        %get3A_237 = vector.shape_cast %get3A_236 : vector<1x16xi32> to vector<16xi32>
        %and3A_238 = arith.constant 65535 : i32
        %and3A_239 = vector.broadcast %and3A_238 : i32 to vector<16xi32>
        %and3A_240 = arith.andi %get3A_237, %and3A_239 : vector<16xi32>
        %swap3A_241 = arith.constant 1 : i32
        %swap3A_242 = arith.index_cast %swap3A_241 : i32 to index
        %swap3A_243 = arith.constant 32 : index
        %swap3A_244 = tpu.vector_load %arg6[%swap3A_242, %swap3A_243] {strides = array<i32>} : memref<8x64xi32, #tpu.memory_space<vmem>>, vector<1x16xi32>,
        %swap3A_245 = vector.shape_cast %swap3A_244 : vector<1x16xi32> to vector<16xi32>
        %swap3A_246 = vector.shape_cast %and3A_240 : vector<16xi32> to vector<1x16xi32>
        tpu.vector_store %arg6[%swap3A_242, %swap3A_243], %swap3A_246 {strides = array<i32>} : memref<8x64xi32, #tpu.memory_space<vmem>>, vector<1x16xi32>,
        %shift_right_arithmetic3A_247 = arith.constant 16 : i32
        %shift_right_arithmetic3A_248 = vector.broadcast %shift_right_arithmetic3A_247 : i32 to vector<16xi32>
        %shift_right_arithmetic3A_249 = arith.shrsi %get3A_237, %shift_right_arithmetic3A_248 : vector<16xi32>
        %swap3A_250 = arith.constant 1 : i32
        %swap3A_251 = arith.index_cast %swap3A_250 : i32 to index
        %swap3A_252 = arith.constant 32 : index
        %swap3A_253 = tpu.vector_load %arg7[%swap3A_251, %swap3A_252] {strides = array<i32>} : memref<8x64xi32, #tpu.memory_space<vmem>>, vector<1x16xi32>,
        %swap3A_254 = vector.shape_cast %swap3A_253 : vector<1x16xi32> to vector<16xi32>
        %swap3A_255 = vector.shape_cast %shift_right_arithmetic3A_249 : vector<16xi32> to vector<1x16xi32>
        tpu.vector_store %arg7[%swap3A_251, %swap3A_252], %swap3A_255 {strides = array<i32>} : memref<8x64xi32, #tpu.memory_space<vmem>>, vector<1x16xi32>,
        %get3A_256 = arith.index_cast %scan3A_142 : i32 to index
        %get3A_257 = arith.constant 112 : index
        %get3A_258 = tpu.vector_load %arg5[%get3A_256, %get3A_257] {strides = array<i32>} : memref<79x128xi32, #tpu.memory_space<vmem>>, vector<1x16xi32>,
        %get3A_259 = vector.shape_cast %get3A_258 : vector<1x16xi32> to vector<16xi32>
        %and3A_260 = arith.constant 65535 : i32
        %and3A_261 = vector.broadcast %and3A_260 : i32 to vector<16xi32>
        %and3A_262 = arith.andi %get3A_259, %and3A_261 : vector<16xi32>
        %swap3A_263 = arith.constant 1 : i32
        %swap3A_264 = arith.index_cast %swap3A_263 : i32 to index
        %swap3A_265 = arith.constant 48 : index
        %swap3A_266 = tpu.vector_load %arg6[%swap3A_264, %swap3A_265] {strides = array<i32>} : memref<8x64xi32, #tpu.memory_space<vmem>>, vector<1x16xi32>,
        %swap3A_267 = vector.shape_cast %swap3A_266 : vector<1x16xi32> to vector<16xi32>
        %swap3A_268 = vector.shape_cast %and3A_262 : vector<16xi32> to vector<1x16xi32>
        tpu.vector_store %arg6[%swap3A_264, %swap3A_265], %swap3A_268 {strides = array<i32>} : memref<8x64xi32, #tpu.memory_space<vmem>>, vector<1x16xi32>,
        %shift_right_arithmetic3A_269 = arith.constant 16 : i32
        %shift_right_arithmetic3A_270 = vector.broadcast %shift_right_arithmetic3A_269 : i32 to vector<16xi32>
        %shift_right_arithmetic3A_271 = arith.shrsi %get3A_259, %shift_right_arithmetic3A_270 : vector<16xi32>
        %swap3A_272 = arith.constant 1 : i32
        %swap3A_273 = arith.index_cast %swap3A_272 : i32 to index
        %swap3A_274 = arith.constant 48 : index
        %swap3A_275 = tpu.vector_load %arg7[%swap3A_273, %swap3A_274] {strides = array<i32>} : memref<8x64xi32, #tpu.memory_space<vmem>>, vector<1x16xi32>,
        %swap3A_276 = vector.shape_cast %swap3A_275 : vector<1x16xi32> to vector<16xi32>
        %swap3A_277 = vector.shape_cast %shift_right_arithmetic3A_271 : vector<16xi32> to vector<1x16xi32>
        tpu.vector_store %arg7[%swap3A_273, %swap3A_274], %swap3A_277 {strides = array<i32>} : memref<8x64xi32, #tpu.memory_space<vmem>>, vector<1x16xi32>,
        %dma_start3A_278 = arith.constant 1 : i32
        %dma_start3A_279 = arith.constant 1 : i32
        %dma_start3A_280 = arith.constant 0 : i32
        %dma_start3A_281 = arith.constant 0 : i32
        %dma_start3A_282 = tpu.memref_slice %arg8[%dma_start3A_279, %dma_start3A_280, %dma_start3A_281] : memref<2x64x128xf32, #tpu.memory_space<vmem>> -> memref<1x64x128xf32, #tpu.memory_space<vmem>>
        %dma_start3A_283 = tpu.memref_squeeze %dma_start3A_282 : memref<1x64x128xf32, #tpu.memory_space<vmem>> -> memref<64x128xf32, #tpu.memory_space<vmem>>
        %dma_start3A_284 = arith.constant 0 : i32
        %dma_start3A_285 = tpu.memref_slice %arg6[%dma_start3A_278, %dma_start3A_284] : memref<8x64xi32, #tpu.memory_space<vmem>> -> memref<1x64xi32, #tpu.memory_space<vmem>>
        %dma_start3A_286 = tpu.memref_squeeze %dma_start3A_285 : memref<1x64xi32, #tpu.memory_space<vmem>> -> memref<64xi32, #tpu.memory_space<vmem>>
        %dma_start3A_287 = arith.constant 0 : i32
        %dma_start3A_288 = arith.constant 0 : i32
        %dma_start3A_289 = tpu.memref_slice %arg2[%dma_start3A_287, %dma_start3A_288] : memref<10000x128xf32, #tpu.memory_space<hbm>> -> memref<10000x128xf32, #tpu.memory_space<hbm>>
        tpu.enqueue_indirect_dma source(%dma_start3A_289 : memref<10000x128xf32, #tpu.memory_space<hbm>>) target(%dma_start3A_283 : memref<64x128xf32, #tpu.memory_space<vmem>>) offsets(%dma_start3A_286 : memref<64xi32, #tpu.memory_space<vmem>>) semaphore(%arg12 : memref<!tpu.dma_semaphore, #tpu.memory_space<semaphore_mem>>)
      } else {
      }
      %dma_wait3A = arith.constant 0 : i32
      %dma_wait3A_151 = arith.constant 0 : i32
      %dma_wait3A_152 = arith.constant 0 : i32
      %dma_wait3A_153 = arith.constant 0 : i32
      %dma_wait3A_154 = tpu.memref_slice %arg8[%dma_wait3A_151, %dma_wait3A_152, %dma_wait3A_153] : memref<2x64x128xf32, #tpu.memory_space<vmem>> -> memref<1x64x128xf32, #tpu.memory_space<vmem>>
      %dma_wait3A_155 = tpu.memref_squeeze %dma_wait3A_154 : memref<1x64x128xf32, #tpu.memory_space<vmem>> -> memref<64x128xf32, #tpu.memory_space<vmem>>
      %dma_wait3A_156 = arith.constant 0 : i32
      %dma_wait3A_157 = tpu.memref_slice %arg6[%dma_wait3A, %dma_wait3A_156] : memref<8x64xi32, #tpu.memory_space<vmem>> -> memref<1x64xi32, #tpu.memory_space<vmem>>
      %dma_wait3A_158 = tpu.memref_squeeze %dma_wait3A_157 : memref<1x64xi32, #tpu.memory_space<vmem>> -> memref<64xi32, #tpu.memory_space<vmem>>
      %dma_wait3A_159 = arith.constant 0 : i32
      %dma_wait3A_160 = arith.constant 0 : i32
      %dma_wait3A_161 = tpu.memref_slice %arg2[%dma_wait3A_159, %dma_wait3A_160] : memref<10000x128xf32, #tpu.memory_space<hbm>> -> memref<10000x128xf32, #tpu.memory_space<hbm>>
      tpu.wait_indirect_dma semaphore(%arg11 : memref<!tpu.dma_semaphore, #tpu.memory_space<semaphore_mem>>) src(%dma_wait3A_161 : memref<10000x128xf32, #tpu.memory_space<hbm>>) dst(%dma_wait3A_155 : memref<64x128xf32, #tpu.memory_space<vmem>>)
      %run_scoped3A = arith.constant 0 : i32
      %run_scoped3A_162 = arith.constant 0 : i32
      "tpu.region"() ({
        %run_scoped3A_190 = tpu.sem_alloc : memref<!tpu.dma_semaphore, #tpu.memory_space<semaphore_mem>>
        %dma_start3A_191 = arith.constant 0 : i32
        %dma_start3A_192 = arith.constant 0 : i32
        %dma_start3A_193 = tpu.memref_slice %arg8[%run_scoped3A, %dma_start3A_191, %dma_start3A_192] : memref<2x64x128xf32, #tpu.memory_space<vmem>> -> memref<1x64x128xf32, #tpu.memory_space<vmem>>
        %dma_start3A_194 = tpu.memref_squeeze %dma_start3A_193 : memref<1x64x128xf32, #tpu.memory_space<vmem>> -> memref<64x128xf32, #tpu.memory_space<vmem>>
        %dma_start3A_195 = arith.constant 0 : i32
        %dma_start3A_196 = tpu.memref_slice %arg7[%run_scoped3A_162, %dma_start3A_195] : memref<8x64xi32, #tpu.memory_space<vmem>> -> memref<1x64xi32, #tpu.memory_space<vmem>>
        %dma_start3A_197 = tpu.memref_squeeze %dma_start3A_196 : memref<1x64xi32, #tpu.memory_space<vmem>> -> memref<64xi32, #tpu.memory_space<vmem>>
        %dma_start3A_198 = arith.constant 0 : i32
        %dma_start3A_199 = arith.constant 0 : i32
        %dma_start3A_200 = tpu.memref_slice %arg10[%dma_start3A_198, %dma_start3A_199] : memref<10112x128xf32, #tpu.memory_space<vmem_shared>> -> memref<10112x128xf32, #tpu.memory_space<vmem_shared>>
        tpu.enqueue_indirect_dma source(%dma_start3A_194 : memref<64x128xf32, #tpu.memory_space<vmem>>) target(%dma_start3A_200 : memref<10112x128xf32, #tpu.memory_space<vmem_shared>>) offsets(%dma_start3A_197 : memref<64xi32, #tpu.memory_space<vmem>>) semaphore(%run_scoped3A_190 : memref<!tpu.dma_semaphore, #tpu.memory_space<semaphore_mem>>) {add = true}
        %dma_wait3A_201 = arith.constant 0 : i32
        %dma_wait3A_202 = arith.constant 0 : i32
        %dma_wait3A_203 = tpu.memref_slice %arg8[%run_scoped3A, %dma_wait3A_201, %dma_wait3A_202] : memref<2x64x128xf32, #tpu.memory_space<vmem>> -> memref<1x64x128xf32, #tpu.memory_space<vmem>>
        %dma_wait3A_204 = tpu.memref_squeeze %dma_wait3A_203 : memref<1x64x128xf32, #tpu.memory_space<vmem>> -> memref<64x128xf32, #tpu.memory_space<vmem>>
        %dma_wait3A_205 = arith.constant 0 : i32
        %dma_wait3A_206 = tpu.memref_slice %arg7[%run_scoped3A_162, %dma_wait3A_205] : memref<8x64xi32, #tpu.memory_space<vmem>> -> memref<1x64xi32, #tpu.memory_space<vmem>>
        %dma_wait3A_207 = tpu.memref_squeeze %dma_wait3A_206 : memref<1x64xi32, #tpu.memory_space<vmem>> -> memref<64xi32, #tpu.memory_space<vmem>>
        %dma_wait3A_208 = arith.constant 0 : i32
        %dma_wait3A_209 = arith.constant 0 : i32
        %dma_wait3A_210 = tpu.memref_slice %arg10[%dma_wait3A_208, %dma_wait3A_209] : memref<10112x128xf32, #tpu.memory_space<vmem_shared>> -> memref<10112x128xf32, #tpu.memory_space<vmem_shared>>
        tpu.wait_indirect_dma semaphore(%run_scoped3A_190 : memref<!tpu.dma_semaphore, #tpu.memory_space<semaphore_mem>>) src(%dma_wait3A_204 : memref<64x128xf32, #tpu.memory_space<vmem>>) dst(%dma_wait3A_210 : memref<10112x128xf32, #tpu.memory_space<vmem_shared>>)
        tpu.yield
      }) : () -> ()
      %add3A_163 = arith.constant 1 : i32
      %add3A_164 = arith.addi %scan3A_142, %add3A_163 : i32
      %mul3A_165 = arith.constant 2 : i32
      %mul3A_166 = arith.muli %mul3A_165, %scan3A_142 : i32
      %add3A_167 = arith.constant 1 : i32
      %add3A_168 = arith.addi %mul3A_166, %add3A_167 : i32
      %add3A_169 = arith.constant 1 : i32
      %add3A_170 = arith.addi %add3A_168, %add3A_169 : i32
      %lt3A_171 = arith.constant 158 : i32
      %lt3A_172 = arith.cmpi slt, %add3A_170, %lt3A_171 : i32
      %convert_element_type3A_173 = arith.extui %lt3A_172 : i1 to i32
      %cond3A_174 = arith.constant 0 : i32
      %cond3A_175 = arith.cmpi ne, %convert_element_type3A_173, %cond3A_174 : i32
      scf.if %cond3A_175 {
        %get3A_190 = arith.index_cast %add3A_164 : i32 to index
        %get3A_191 = arith.constant 0 : index
        %get3A_192 = tpu.vector_load %arg5[%get3A_190, %get3A_191] {strides = array<i32>} : memref<79x128xi32, #tpu.memory_space<vmem>>, vector<1x16xi32>,
        %get3A_193 = vector.shape_cast %get3A_192 : vector<1x16xi32> to vector<16xi32>
        %and3A_194 = arith.constant 65535 : i32
        %and3A_195 = vector.broadcast %and3A_194 : i32 to vector<16xi32>
        %and3A_196 = arith.andi %get3A_193, %and3A_195 : vector<16xi32>
        %swap3A_197 = arith.constant 0 : i32
        %swap3A_198 = arith.index_cast %swap3A_197 : i32 to index
        %swap3A_199 = arith.constant 0 : index
        %swap3A_200 = tpu.vector_load %arg6[%swap3A_198, %swap3A_199] {strides = array<i32>} : memref<8x64xi32, #tpu.memory_space<vmem>>, vector<1x16xi32>,
        %swap3A_201 = vector.shape_cast %swap3A_200 : vector<1x16xi32> to vector<16xi32>
        %swap3A_202 = vector.shape_cast %and3A_196 : vector<16xi32> to vector<1x16xi32>
        tpu.vector_store %arg6[%swap3A_198, %swap3A_199], %swap3A_202 {strides = array<i32>} : memref<8x64xi32, #tpu.memory_space<vmem>>, vector<1x16xi32>,
        %shift_right_arithmetic3A_203 = arith.constant 16 : i32
        %shift_right_arithmetic3A_204 = vector.broadcast %shift_right_arithmetic3A_203 : i32 to vector<16xi32>
        %shift_right_arithmetic3A_205 = arith.shrsi %get3A_193, %shift_right_arithmetic3A_204 : vector<16xi32>
        %swap3A_206 = arith.constant 0 : i32
        %swap3A_207 = arith.index_cast %swap3A_206 : i32 to index
        %swap3A_208 = arith.constant 0 : index
        %swap3A_209 = tpu.vector_load %arg7[%swap3A_207, %swap3A_208] {strides = array<i32>} : memref<8x64xi32, #tpu.memory_space<vmem>>, vector<1x16xi32>,
        %swap3A_210 = vector.shape_cast %swap3A_209 : vector<1x16xi32> to vector<16xi32>
        %swap3A_211 = vector.shape_cast %shift_right_arithmetic3A_205 : vector<16xi32> to vector<1x16xi32>
        tpu.vector_store %arg7[%swap3A_207, %swap3A_208], %swap3A_211 {strides = array<i32>} : memref<8x64xi32, #tpu.memory_space<vmem>>, vector<1x16xi32>,
        %get3A_212 = arith.index_cast %add3A_164 : i32 to index
        %get3A_213 = arith.constant 16 : index
        %get3A_214 = tpu.vector_load %arg5[%get3A_212, %get3A_213] {strides = array<i32>} : memref<79x128xi32, #tpu.memory_space<vmem>>, vector<1x16xi32>,
        %get3A_215 = vector.shape_cast %get3A_214 : vector<1x16xi32> to vector<16xi32>
        %and3A_216 = arith.constant 65535 : i32
        %and3A_217 = vector.broadcast %and3A_216 : i32 to vector<16xi32>
        %and3A_218 = arith.andi %get3A_215, %and3A_217 : vector<16xi32>
        %swap3A_219 = arith.constant 0 : i32
        %swap3A_220 = arith.index_cast %swap3A_219 : i32 to index
        %swap3A_221 = arith.constant 16 : index
        %swap3A_222 = tpu.vector_load %arg6[%swap3A_220, %swap3A_221] {strides = array<i32>} : memref<8x64xi32, #tpu.memory_space<vmem>>, vector<1x16xi32>,
        %swap3A_223 = vector.shape_cast %swap3A_222 : vector<1x16xi32> to vector<16xi32>
        %swap3A_224 = vector.shape_cast %and3A_218 : vector<16xi32> to vector<1x16xi32>
        tpu.vector_store %arg6[%swap3A_220, %swap3A_221], %swap3A_224 {strides = array<i32>} : memref<8x64xi32, #tpu.memory_space<vmem>>, vector<1x16xi32>,
        %shift_right_arithmetic3A_225 = arith.constant 16 : i32
        %shift_right_arithmetic3A_226 = vector.broadcast %shift_right_arithmetic3A_225 : i32 to vector<16xi32>
        %shift_right_arithmetic3A_227 = arith.shrsi %get3A_215, %shift_right_arithmetic3A_226 : vector<16xi32>
        %swap3A_228 = arith.constant 0 : i32
        %swap3A_229 = arith.index_cast %swap3A_228 : i32 to index
        %swap3A_230 = arith.constant 16 : index
        %swap3A_231 = tpu.vector_load %arg7[%swap3A_229, %swap3A_230] {strides = array<i32>} : memref<8x64xi32, #tpu.memory_space<vmem>>, vector<1x16xi32>,
        %swap3A_232 = vector.shape_cast %swap3A_231 : vector<1x16xi32> to vector<16xi32>
        %swap3A_233 = vector.shape_cast %shift_right_arithmetic3A_227 : vector<16xi32> to vector<1x16xi32>
        tpu.vector_store %arg7[%swap3A_229, %swap3A_230], %swap3A_233 {strides = array<i32>} : memref<8x64xi32, #tpu.memory_space<vmem>>, vector<1x16xi32>,
        %get3A_234 = arith.index_cast %add3A_164 : i32 to index
        %get3A_235 = arith.constant 32 : index
        %get3A_236 = tpu.vector_load %arg5[%get3A_234, %get3A_235] {strides = array<i32>} : memref<79x128xi32, #tpu.memory_space<vmem>>, vector<1x16xi32>,
        %get3A_237 = vector.shape_cast %get3A_236 : vector<1x16xi32> to vector<16xi32>
        %and3A_238 = arith.constant 65535 : i32
        %and3A_239 = vector.broadcast %and3A_238 : i32 to vector<16xi32>
        %and3A_240 = arith.andi %get3A_237, %and3A_239 : vector<16xi32>
        %swap3A_241 = arith.constant 0 : i32
        %swap3A_242 = arith.index_cast %swap3A_241 : i32 to index
        %swap3A_243 = arith.constant 32 : index
        %swap3A_244 = tpu.vector_load %arg6[%swap3A_242, %swap3A_243] {strides = array<i32>} : memref<8x64xi32, #tpu.memory_space<vmem>>, vector<1x16xi32>,
        %swap3A_245 = vector.shape_cast %swap3A_244 : vector<1x16xi32> to vector<16xi32>
        %swap3A_246 = vector.shape_cast %and3A_240 : vector<16xi32> to vector<1x16xi32>
        tpu.vector_store %arg6[%swap3A_242, %swap3A_243], %swap3A_246 {strides = array<i32>} : memref<8x64xi32, #tpu.memory_space<vmem>>, vector<1x16xi32>,
        %shift_right_arithmetic3A_247 = arith.constant 16 : i32
        %shift_right_arithmetic3A_248 = vector.broadcast %shift_right_arithmetic3A_247 : i32 to vector<16xi32>
        %shift_right_arithmetic3A_249 = arith.shrsi %get3A_237, %shift_right_arithmetic3A_248 : vector<16xi32>
        %swap3A_250 = arith.constant 0 : i32
        %swap3A_251 = arith.index_cast %swap3A_250 : i32 to index
        %swap3A_252 = arith.constant 32 : index
        %swap3A_253 = tpu.vector_load %arg7[%swap3A_251, %swap3A_252] {strides = array<i32>} : memref<8x64xi32, #tpu.memory_space<vmem>>, vector<1x16xi32>,
        %swap3A_254 = vector.shape_cast %swap3A_253 : vector<1x16xi32> to vector<16xi32>
        %swap3A_255 = vector.shape_cast %shift_right_arithmetic3A_249 : vector<16xi32> to vector<1x16xi32>
        tpu.vector_store %arg7[%swap3A_251, %swap3A_252], %swap3A_255 {strides = array<i32>} : memref<8x64xi32, #tpu.memory_space<vmem>>, vector<1x16xi32>,
        %get3A_256 = arith.index_cast %add3A_164 : i32 to index
        %get3A_257 = arith.constant 48 : index
        %get3A_258 = tpu.vector_load %arg5[%get3A_256, %get3A_257] {strides = array<i32>} : memref<79x128xi32, #tpu.memory_space<vmem>>, vector<1x16xi32>,
        %get3A_259 = vector.shape_cast %get3A_258 : vector<1x16xi32> to vector<16xi32>
        %and3A_260 = arith.constant 65535 : i32
        %and3A_261 = vector.broadcast %and3A_260 : i32 to vector<16xi32>
        %and3A_262 = arith.andi %get3A_259, %and3A_261 : vector<16xi32>
        %swap3A_263 = arith.constant 0 : i32
        %swap3A_264 = arith.index_cast %swap3A_263 : i32 to index
        %swap3A_265 = arith.constant 48 : index
        %swap3A_266 = tpu.vector_load %arg6[%swap3A_264, %swap3A_265] {strides = array<i32>} : memref<8x64xi32, #tpu.memory_space<vmem>>, vector<1x16xi32>,
        %swap3A_267 = vector.shape_cast %swap3A_266 : vector<1x16xi32> to vector<16xi32>
        %swap3A_268 = vector.shape_cast %and3A_262 : vector<16xi32> to vector<1x16xi32>
        tpu.vector_store %arg6[%swap3A_264, %swap3A_265], %swap3A_268 {strides = array<i32>} : memref<8x64xi32, #tpu.memory_space<vmem>>, vector<1x16xi32>,
        %shift_right_arithmetic3A_269 = arith.constant 16 : i32
        %shift_right_arithmetic3A_270 = vector.broadcast %shift_right_arithmetic3A_269 : i32 to vector<16xi32>
        %shift_right_arithmetic3A_271 = arith.shrsi %get3A_259, %shift_right_arithmetic3A_270 : vector<16xi32>
        %swap3A_272 = arith.constant 0 : i32
        %swap3A_273 = arith.index_cast %swap3A_272 : i32 to index
        %swap3A_274 = arith.constant 48 : index
        %swap3A_275 = tpu.vector_load %arg7[%swap3A_273, %swap3A_274] {strides = array<i32>} : memref<8x64xi32, #tpu.memory_space<vmem>>, vector<1x16xi32>,
        %swap3A_276 = vector.shape_cast %swap3A_275 : vector<1x16xi32> to vector<16xi32>
        %swap3A_277 = vector.shape_cast %shift_right_arithmetic3A_271 : vector<16xi32> to vector<1x16xi32>
        tpu.vector_store %arg7[%swap3A_273, %swap3A_274], %swap3A_277 {strides = array<i32>} : memref<8x64xi32, #tpu.memory_space<vmem>>, vector<1x16xi32>,
        %dma_start3A_278 = arith.constant 0 : i32
        %dma_start3A_279 = arith.constant 0 : i32
        %dma_start3A_280 = arith.constant 0 : i32
        %dma_start3A_281 = arith.constant 0 : i32
        %dma_start3A_282 = tpu.memref_slice %arg8[%dma_start3A_279, %dma_start3A_280, %dma_start3A_281] : memref<2x64x128xf32, #tpu.memory_space<vmem>> -> memref<1x64x128xf32, #tpu.memory_space<vmem>>
        %dma_start3A_283 = tpu.memref_squeeze %dma_start3A_282 : memref<1x64x128xf32, #tpu.memory_space<vmem>> -> memref<64x128xf32, #tpu.memory_space<vmem>>
        %dma_start3A_284 = arith.constant 0 : i32
        %dma_start3A_285 = tpu.memref_slice %arg6[%dma_start3A_278, %dma_start3A_284] : memref<8x64xi32, #tpu.memory_space<vmem>> -> memref<1x64xi32, #tpu.memory_space<vmem>>
        %dma_start3A_286 = tpu.memref_squeeze %dma_start3A_285 : memref<1x64xi32, #tpu.memory_space<vmem>> -> memref<64xi32, #tpu.memory_space<vmem>>
        %dma_start3A_287 = arith.constant 0 : i32
        %dma_start3A_288 = arith.constant 0 : i32
        %dma_start3A_289 = tpu.memref_slice %arg2[%dma_start3A_287, %dma_start3A_288] : memref<10000x128xf32, #tpu.memory_space<hbm>> -> memref<10000x128xf32, #tpu.memory_space<hbm>>
        tpu.enqueue_indirect_dma source(%dma_start3A_289 : memref<10000x128xf32, #tpu.memory_space<hbm>>) target(%dma_start3A_283 : memref<64x128xf32, #tpu.memory_space<vmem>>) offsets(%dma_start3A_286 : memref<64xi32, #tpu.memory_space<vmem>>) semaphore(%arg11 : memref<!tpu.dma_semaphore, #tpu.memory_space<semaphore_mem>>)
      } else {
      }
      %dma_wait3A_176 = arith.constant 1 : i32
      %dma_wait3A_177 = arith.constant 1 : i32
      %dma_wait3A_178 = arith.constant 0 : i32
      %dma_wait3A_179 = arith.constant 0 : i32
      %dma_wait3A_180 = tpu.memref_slice %arg8[%dma_wait3A_177, %dma_wait3A_178, %dma_wait3A_179] : memref<2x64x128xf32, #tpu.memory_space<vmem>> -> memref<1x64x128xf32, #tpu.memory_space<vmem>>
      %dma_wait3A_181 = tpu.memref_squeeze %dma_wait3A_180 : memref<1x64x128xf32, #tpu.memory_space<vmem>> -> memref<64x128xf32, #tpu.memory_space<vmem>>
      %dma_wait3A_182 = arith.constant 0 : i32
      %dma_wait3A_183 = tpu.memref_slice %arg6[%dma_wait3A_176, %dma_wait3A_182] : memref<8x64xi32, #tpu.memory_space<vmem>> -> memref<1x64xi32, #tpu.memory_space<vmem>>
      %dma_wait3A_184 = tpu.memref_squeeze %dma_wait3A_183 : memref<1x64xi32, #tpu.memory_space<vmem>> -> memref<64xi32, #tpu.memory_space<vmem>>
      %dma_wait3A_185 = arith.constant 0 : i32
      %dma_wait3A_186 = arith.constant 0 : i32
      %dma_wait3A_187 = tpu.memref_slice %arg2[%dma_wait3A_185, %dma_wait3A_186] : memref<10000x128xf32, #tpu.memory_space<hbm>> -> memref<10000x128xf32, #tpu.memory_space<hbm>>
      tpu.wait_indirect_dma semaphore(%arg12 : memref<!tpu.dma_semaphore, #tpu.memory_space<semaphore_mem>>) src(%dma_wait3A_187 : memref<10000x128xf32, #tpu.memory_space<hbm>>) dst(%dma_wait3A_181 : memref<64x128xf32, #tpu.memory_space<vmem>>)
      %run_scoped3A_188 = arith.constant 1 : i32
      %run_scoped3A_189 = arith.constant 1 : i32
      "tpu.region"() ({
        %run_scoped3A_190 = tpu.sem_alloc : memref<!tpu.dma_semaphore, #tpu.memory_space<semaphore_mem>>
        %dma_start3A_191 = arith.constant 0 : i32
        %dma_start3A_192 = arith.constant 0 : i32
        %dma_start3A_193 = tpu.memref_slice %arg8[%run_scoped3A_188, %dma_start3A_191, %dma_start3A_192] : memref<2x64x128xf32, #tpu.memory_space<vmem>> -> memref<1x64x128xf32, #tpu.memory_space<vmem>>
        %dma_start3A_194 = tpu.memref_squeeze %dma_start3A_193 : memref<1x64x128xf32, #tpu.memory_space<vmem>> -> memref<64x128xf32, #tpu.memory_space<vmem>>
        %dma_start3A_195 = arith.constant 0 : i32
        %dma_start3A_196 = tpu.memref_slice %arg7[%run_scoped3A_189, %dma_start3A_195] : memref<8x64xi32, #tpu.memory_space<vmem>> -> memref<1x64xi32, #tpu.memory_space<vmem>>
        %dma_start3A_197 = tpu.memref_squeeze %dma_start3A_196 : memref<1x64xi32, #tpu.memory_space<vmem>> -> memref<64xi32, #tpu.memory_space<vmem>>
        %dma_start3A_198 = arith.constant 0 : i32
        %dma_start3A_199 = arith.constant 0 : i32
        %dma_start3A_200 = tpu.memref_slice %arg10[%dma_start3A_198, %dma_start3A_199] : memref<10112x128xf32, #tpu.memory_space<vmem_shared>> -> memref<10112x128xf32, #tpu.memory_space<vmem_shared>>
        tpu.enqueue_indirect_dma source(%dma_start3A_194 : memref<64x128xf32, #tpu.memory_space<vmem>>) target(%dma_start3A_200 : memref<10112x128xf32, #tpu.memory_space<vmem_shared>>) offsets(%dma_start3A_197 : memref<64xi32, #tpu.memory_space<vmem>>) semaphore(%run_scoped3A_190 : memref<!tpu.dma_semaphore, #tpu.memory_space<semaphore_mem>>) {add = true}
        %dma_wait3A_201 = arith.constant 0 : i32
        %dma_wait3A_202 = arith.constant 0 : i32
        %dma_wait3A_203 = tpu.memref_slice %arg8[%run_scoped3A_188, %dma_wait3A_201, %dma_wait3A_202] : memref<2x64x128xf32, #tpu.memory_space<vmem>> -> memref<1x64x128xf32, #tpu.memory_space<vmem>>
        %dma_wait3A_204 = tpu.memref_squeeze %dma_wait3A_203 : memref<1x64x128xf32, #tpu.memory_space<vmem>> -> memref<64x128xf32, #tpu.memory_space<vmem>>
        %dma_wait3A_205 = arith.constant 0 : i32
        %dma_wait3A_206 = tpu.memref_slice %arg7[%run_scoped3A_189, %dma_wait3A_205] : memref<8x64xi32, #tpu.memory_space<vmem>> -> memref<1x64xi32, #tpu.memory_space<vmem>>
        %dma_wait3A_207 = tpu.memref_squeeze %dma_wait3A_206 : memref<1x64xi32, #tpu.memory_space<vmem>> -> memref<64xi32, #tpu.memory_space<vmem>>
        %dma_wait3A_208 = arith.constant 0 : i32
        %dma_wait3A_209 = arith.constant 0 : i32
        %dma_wait3A_210 = tpu.memref_slice %arg10[%dma_wait3A_208, %dma_wait3A_209] : memref<10112x128xf32, #tpu.memory_space<vmem_shared>> -> memref<10112x128xf32, #tpu.memory_space<vmem_shared>>
        tpu.wait_indirect_dma semaphore(%run_scoped3A_190 : memref<!tpu.dma_semaphore, #tpu.memory_space<semaphore_mem>>) src(%dma_wait3A_204 : memref<64x128xf32, #tpu.memory_space<vmem>>) dst(%dma_wait3A_210 : memref<10112x128xf32, #tpu.memory_space<vmem_shared>>)
        tpu.yield
      }) : () -> ()
    }
    %scan3A_120 = arith.constant 79 : i32
    %barrier3A_121 = arith.constant 0 : index
    tpu.barrier barrier_id(%barrier3A_121)
    %add3A_122 = arith.constant 0 : i32
    %add3A_123 = arith.addi %mul3A_6, %add3A_122 : i32
    "tpu.region"() ({
      %run_scoped3A = tpu.sem_alloc : memref<!tpu.dma_semaphore, #tpu.memory_space<semaphore_mem>>
      %dma_start3A_142 = arith.constant 0 : i32
      %dma_start3A_143 = tpu.memref_slice %arg10[%add3A_123, %dma_start3A_142] : memref<10112x128xf32, #tpu.memory_space<vmem_shared>> -> memref<128x128xf32, #tpu.memory_space<vmem_shared>>
      %dma_start3A_144 = arith.constant 0 : i32
      %dma_start3A_145 = tpu.memref_slice %arg10[%add3A_123, %dma_start3A_144] : memref<10112x128xf32, #tpu.memory_space<vmem_shared>> -> memref<128x128xf32, #tpu.memory_space<vmem_shared>>
      tpu.enqueue_dma source(%dma_start3A_145 : memref<128x128xf32, #tpu.memory_space<vmem_shared>>) target(%arg9 : memref<128x128xf32, #tpu.memory_space<vmem>>) target_semaphore(%run_scoped3A : memref<!tpu.dma_semaphore, #tpu.memory_space<semaphore_mem>>)
      %dma_wait3A = arith.constant 0 : i32
      %dma_wait3A_146 = tpu.memref_slice %arg10[%add3A_123, %dma_wait3A] : memref<10112x128xf32, #tpu.memory_space<vmem_shared>> -> memref<128x128xf32, #tpu.memory_space<vmem_shared>>
      %dma_wait3A_147 = arith.constant 0 : i32
      %dma_wait3A_148 = tpu.memref_slice %arg10[%add3A_123, %dma_wait3A_147] : memref<10112x128xf32, #tpu.memory_space<vmem_shared>> -> memref<128x128xf32, #tpu.memory_space<vmem_shared>>
      tpu.wait_dma2 semaphore(%run_scoped3A : memref<!tpu.dma_semaphore, #tpu.memory_space<semaphore_mem>>) src(%dma_wait3A_148 : memref<128x128xf32, #tpu.memory_space<vmem_shared>>) dst(%arg9 : memref<128x128xf32, #tpu.memory_space<vmem>>)
      tpu.yield
    }) : () -> ()
    %add3A_124 = arith.constant 0 : i32
    %add3A_125 = arith.addi %mul3A_6, %add3A_124 : i32
    "tpu.region"() ({
      %run_scoped3A = tpu.sem_alloc : memref<!tpu.dma_semaphore, #tpu.memory_space<semaphore_mem>>
      %dma_start3A_142 = arith.constant 0 : i32
      %dma_start3A_143 = tpu.memref_slice %arg4[%arg0, %add3A_125, %dma_start3A_142] : memref<2x10112x128xf32, #tpu.memory_space<hbm>> -> memref<1x128x128xf32, #tpu.memory_space<hbm>>
      %dma_start3A_144 = tpu.memref_squeeze %dma_start3A_143 : memref<1x128x128xf32, #tpu.memory_space<hbm>> -> memref<128x128xf32, #tpu.memory_space<hbm>>
      %dma_start3A_145 = arith.constant 0 : i32
      %dma_start3A_146 = tpu.memref_slice %arg4[%arg0, %add3A_125, %dma_start3A_145] : memref<2x10112x128xf32, #tpu.memory_space<hbm>> -> memref<1x128x128xf32, #tpu.memory_space<hbm>>
      %dma_start3A_147 = tpu.memref_squeeze %dma_start3A_146 : memref<1x128x128xf32, #tpu.memory_space<hbm>> -> memref<128x128xf32, #tpu.memory_space<hbm>>
      tpu.enqueue_dma source(%arg9 : memref<128x128xf32, #tpu.memory_space<vmem>>) target(%dma_start3A_147 : memref<128x128xf32, #tpu.memory_space<hbm>>) target_semaphore(%run_scoped3A : memref<!tpu.dma_semaphore, #tpu.memory_space<semaphore_mem>>)
      %dma_wait3A = arith.constant 0 : i32
      %dma_wait3A_148 = tpu.memref_slice %arg4[%arg0, %add3A_125, %dma_wait3A] : memref<2x10112x128xf32, #tpu.memory_space<hbm>> -> memref<1x128x128xf32, #tpu.memory_space<hbm>>
      %dma_wait3A_149 = tpu.memref_squeeze %dma_wait3A_148 : memref<1x128x128xf32, #tpu.memory_space<hbm>> -> memref<128x128xf32, #tpu.memory_space<hbm>>
      %dma_wait3A_150 = arith.constant 0 : i32
      %dma_wait3A_151 = tpu.memref_slice %arg4[%arg0, %add3A_125, %dma_wait3A_150] : memref<2x10112x128xf32, #tpu.memory_space<hbm>> -> memref<1x128x128xf32, #tpu.memory_space<hbm>>
      %dma_wait3A_152 = tpu.memref_squeeze %dma_wait3A_151 : memref<1x128x128xf32, #tpu.memory_space<hbm>> -> memref<128x128xf32, #tpu.memory_space<hbm>>
      tpu.wait_dma2 semaphore(%run_scoped3A : memref<!tpu.dma_semaphore, #tpu.memory_space<semaphore_mem>>) src(%arg9 : memref<128x128xf32, #tpu.memory_space<vmem>>) dst(%dma_wait3A_152 : memref<128x128xf32, #tpu.memory_space<hbm>>)
      tpu.yield
    }) : () -> ()
    %add3A_126 = arith.constant 128 : i32
    %add3A_127 = arith.addi %mul3A_6, %add3A_126 : i32
    "tpu.region"() ({
      %run_scoped3A = tpu.sem_alloc : memref<!tpu.dma_semaphore, #tpu.memory_space<semaphore_mem>>
      %dma_start3A_142 = arith.constant 0 : i32
      %dma_start3A_143 = tpu.memref_slice %arg10[%add3A_127, %dma_start3A_142] : memref<10112x128xf32, #tpu.memory_space<vmem_shared>> -> memref<128x128xf32, #tpu.memory_space<vmem_shared>>
      %dma_start3A_144 = arith.constant 0 : i32
      %dma_start3A_145 = tpu.memref_slice %arg10[%add3A_127, %dma_start3A_144] : memref<10112x128xf32, #tpu.memory_space<vmem_shared>> -> memref<128x128xf32, #tpu.memory_space<vmem_shared>>
      tpu.enqueue_dma source(%dma_start3A_145 : memref<128x128xf32, #tpu.memory_space<vmem_shared>>) target(%arg9 : memref<128x128xf32, #tpu.memory_space<vmem>>) target_semaphore(%run_scoped3A : memref<!tpu.dma_semaphore, #tpu.memory_space<semaphore_mem>>)
      %dma_wait3A = arith.constant 0 : i32
      %dma_wait3A_146 = tpu.memref_slice %arg10[%add3A_127, %dma_wait3A] : memref<10112x128xf32, #tpu.memory_space<vmem_shared>> -> memref<128x128xf32, #tpu.memory_space<vmem_shared>>
      %dma_wait3A_147 = arith.constant 0 : i32
      %dma_wait3A_148 = tpu.memref_slice %arg10[%add3A_127, %dma_wait3A_147] : memref<10112x128xf32, #tpu.memory_space<vmem_shared>> -> memref<128x128xf32, #tpu.memory_space<vmem_shared>>
      tpu.wait_dma2 semaphore(%run_scoped3A : memref<!tpu.dma_semaphore, #tpu.memory_space<semaphore_mem>>) src(%dma_wait3A_148 : memref<128x128xf32, #tpu.memory_space<vmem_shared>>) dst(%arg9 : memref<128x128xf32, #tpu.memory_space<vmem>>)
      tpu.yield
    }) : () -> ()
    %add3A_128 = arith.constant 128 : i32
    %add3A_129 = arith.addi %mul3A_6, %add3A_128 : i32
    "tpu.region"() ({
      %run_scoped3A = tpu.sem_alloc : memref<!tpu.dma_semaphore, #tpu.memory_space<semaphore_mem>>
      %dma_start3A_142 = arith.constant 0 : i32
      %dma_start3A_143 = tpu.memref_slice %arg4[%arg0, %add3A_129, %dma_start3A_142] : memref<2x10112x128xf32, #tpu.memory_space<hbm>> -> memref<1x128x128xf32, #tpu.memory_space<hbm>>
      %dma_start3A_144 = tpu.memref_squeeze %dma_start3A_143 : memref<1x128x128xf32, #tpu.memory_space<hbm>> -> memref<128x128xf32, #tpu.memory_space<hbm>>
      %dma_start3A_145 = arith.constant 0 : i32
      %dma_start3A_146 = tpu.memref_slice %arg4[%arg0, %add3A_129, %dma_start3A_145] : memref<2x10112x128xf32, #tpu.memory_space<hbm>> -> memref<1x128x128xf32, #tpu.memory_space<hbm>>
      %dma_start3A_147 = tpu.memref_squeeze %dma_start3A_146 : memref<1x128x128xf32, #tpu.memory_space<hbm>> -> memref<128x128xf32, #tpu.memory_space<hbm>>
      tpu.enqueue_dma source(%arg9 : memref<128x128xf32, #tpu.memory_space<vmem>>) target(%dma_start3A_147 : memref<128x128xf32, #tpu.memory_space<hbm>>) target_semaphore(%run_scoped3A : memref<!tpu.dma_semaphore, #tpu.memory_space<semaphore_mem>>)
      %dma_wait3A = arith.constant 0 : i32
      %dma_wait3A_148 = tpu.memref_slice %arg4[%arg0, %add3A_129, %dma_wait3A] : memref<2x10112x128xf32, #tpu.memory_space<hbm>> -> memref<1x128x128xf32, #tpu.memory_space<hbm>>
      %dma_wait3A_149 = tpu.memref_squeeze %dma_wait3A_148 : memref<1x128x128xf32, #tpu.memory_space<hbm>> -> memref<128x128xf32, #tpu.memory_space<hbm>>
      %dma_wait3A_150 = arith.constant 0 : i32
      %dma_wait3A_151 = tpu.memref_slice %arg4[%arg0, %add3A_129, %dma_wait3A_150] : memref<2x10112x128xf32, #tpu.memory_space<hbm>> -> memref<1x128x128xf32, #tpu.memory_space<hbm>>
      %dma_wait3A_152 = tpu.memref_squeeze %dma_wait3A_151 : memref<1x128x128xf32, #tpu.memory_space<hbm>> -> memref<128x128xf32, #tpu.memory_space<hbm>>
      tpu.wait_dma2 semaphore(%run_scoped3A : memref<!tpu.dma_semaphore, #tpu.memory_space<semaphore_mem>>) src(%arg9 : memref<128x128xf32, #tpu.memory_space<vmem>>) dst(%dma_wait3A_152 : memref<128x128xf32, #tpu.memory_space<hbm>>)
      tpu.yield
    }) : () -> ()
    %add3A_130 = arith.constant 256 : i32
    %add3A_131 = arith.addi %mul3A_6, %add3A_130 : i32
    "tpu.region"() ({
      %run_scoped3A = tpu.sem_alloc : memref<!tpu.dma_semaphore, #tpu.memory_space<semaphore_mem>>
      %dma_start3A_142 = arith.constant 0 : i32
      %dma_start3A_143 = tpu.memref_slice %arg10[%add3A_131, %dma_start3A_142] : memref<10112x128xf32, #tpu.memory_space<vmem_shared>> -> memref<128x128xf32, #tpu.memory_space<vmem_shared>>
      %dma_start3A_144 = arith.constant 0 : i32
      %dma_start3A_145 = tpu.memref_slice %arg10[%add3A_131, %dma_start3A_144] : memref<10112x128xf32, #tpu.memory_space<vmem_shared>> -> memref<128x128xf32, #tpu.memory_space<vmem_shared>>
      tpu.enqueue_dma source(%dma_start3A_145 : memref<128x128xf32, #tpu.memory_space<vmem_shared>>) target(%arg9 : memref<128x128xf32, #tpu.memory_space<vmem>>) target_semaphore(%run_scoped3A : memref<!tpu.dma_semaphore, #tpu.memory_space<semaphore_mem>>)
      %dma_wait3A = arith.constant 0 : i32
      %dma_wait3A_146 = tpu.memref_slice %arg10[%add3A_131, %dma_wait3A] : memref<10112x128xf32, #tpu.memory_space<vmem_shared>> -> memref<128x128xf32, #tpu.memory_space<vmem_shared>>
      %dma_wait3A_147 = arith.constant 0 : i32
      %dma_wait3A_148 = tpu.memref_slice %arg10[%add3A_131, %dma_wait3A_147] : memref<10112x128xf32, #tpu.memory_space<vmem_shared>> -> memref<128x128xf32, #tpu.memory_space<vmem_shared>>
      tpu.wait_dma2 semaphore(%run_scoped3A : memref<!tpu.dma_semaphore, #tpu.memory_space<semaphore_mem>>) src(%dma_wait3A_148 : memref<128x128xf32, #tpu.memory_space<vmem_shared>>) dst(%arg9 : memref<128x128xf32, #tpu.memory_space<vmem>>)
      tpu.yield
    }) : () -> ()
    %add3A_132 = arith.constant 256 : i32
    %add3A_133 = arith.addi %mul3A_6, %add3A_132 : i32
    "tpu.region"() ({
      %run_scoped3A = tpu.sem_alloc : memref<!tpu.dma_semaphore, #tpu.memory_space<semaphore_mem>>
      %dma_start3A_142 = arith.constant 0 : i32
      %dma_start3A_143 = tpu.memref_slice %arg4[%arg0, %add3A_133, %dma_start3A_142] : memref<2x10112x128xf32, #tpu.memory_space<hbm>> -> memref<1x128x128xf32, #tpu.memory_space<hbm>>
      %dma_start3A_144 = tpu.memref_squeeze %dma_start3A_143 : memref<1x128x128xf32, #tpu.memory_space<hbm>> -> memref<128x128xf32, #tpu.memory_space<hbm>>
      %dma_start3A_145 = arith.constant 0 : i32
      %dma_start3A_146 = tpu.memref_slice %arg4[%arg0, %add3A_133, %dma_start3A_145] : memref<2x10112x128xf32, #tpu.memory_space<hbm>> -> memref<1x128x128xf32, #tpu.memory_space<hbm>>
      %dma_start3A_147 = tpu.memref_squeeze %dma_start3A_146 : memref<1x128x128xf32, #tpu.memory_space<hbm>> -> memref<128x128xf32, #tpu.memory_space<hbm>>
      tpu.enqueue_dma source(%arg9 : memref<128x128xf32, #tpu.memory_space<vmem>>) target(%dma_start3A_147 : memref<128x128xf32, #tpu.memory_space<hbm>>) target_semaphore(%run_scoped3A : memref<!tpu.dma_semaphore, #tpu.memory_space<semaphore_mem>>)
      %dma_wait3A = arith.constant 0 : i32
      %dma_wait3A_148 = tpu.memref_slice %arg4[%arg0, %add3A_133, %dma_wait3A] : memref<2x10112x128xf32, #tpu.memory_space<hbm>> -> memref<1x128x128xf32, #tpu.memory_space<hbm>>
      %dma_wait3A_149 = tpu.memref_squeeze %dma_wait3A_148 : memref<1x128x128xf32, #tpu.memory_space<hbm>> -> memref<128x128xf32, #tpu.memory_space<hbm>>
      %dma_wait3A_150 = arith.constant 0 : i32
      %dma_wait3A_151 = tpu.memref_slice %arg4[%arg0, %add3A_133, %dma_wait3A_150] : memref<2x10112x128xf32, #tpu.memory_space<hbm>> -> memref<1x128x128xf32, #tpu.memory_space<hbm>>
      %dma_wait3A_152 = tpu.memref_squeeze %dma_wait3A_151 : memref<1x128x128xf32, #tpu.memory_space<hbm>> -> memref<128x128xf32, #tpu.memory_space<hbm>>
      tpu.wait_dma2 semaphore(%run_scoped3A : memref<!tpu.dma_semaphore, #tpu.memory_space<semaphore_mem>>) src(%arg9 : memref<128x128xf32, #tpu.memory_space<vmem>>) dst(%dma_wait3A_152 : memref<128x128xf32, #tpu.memory_space<hbm>>)
      tpu.yield
    }) : () -> ()
    %add3A_134 = arith.constant 384 : i32
    %add3A_135 = arith.addi %mul3A_6, %add3A_134 : i32
    "tpu.region"() ({
      %run_scoped3A = tpu.sem_alloc : memref<!tpu.dma_semaphore, #tpu.memory_space<semaphore_mem>>
      %dma_start3A_142 = arith.constant 0 : i32
      %dma_start3A_143 = tpu.memref_slice %arg10[%add3A_135, %dma_start3A_142] : memref<10112x128xf32, #tpu.memory_space<vmem_shared>> -> memref<128x128xf32, #tpu.memory_space<vmem_shared>>
      %dma_start3A_144 = arith.constant 0 : i32
      %dma_start3A_145 = tpu.memref_slice %arg10[%add3A_135, %dma_start3A_144] : memref<10112x128xf32, #tpu.memory_space<vmem_shared>> -> memref<128x128xf32, #tpu.memory_space<vmem_shared>>
      tpu.enqueue_dma source(%dma_start3A_145 : memref<128x128xf32, #tpu.memory_space<vmem_shared>>) target(%arg9 : memref<128x128xf32, #tpu.memory_space<vmem>>) target_semaphore(%run_scoped3A : memref<!tpu.dma_semaphore, #tpu.memory_space<semaphore_mem>>)
      %dma_wait3A = arith.constant 0 : i32
      %dma_wait3A_146 = tpu.memref_slice %arg10[%add3A_135, %dma_wait3A] : memref<10112x128xf32, #tpu.memory_space<vmem_shared>> -> memref<128x128xf32, #tpu.memory_space<vmem_shared>>
      %dma_wait3A_147 = arith.constant 0 : i32
      %dma_wait3A_148 = tpu.memref_slice %arg10[%add3A_135, %dma_wait3A_147] : memref<10112x128xf32, #tpu.memory_space<vmem_shared>> -> memref<128x128xf32, #tpu.memory_space<vmem_shared>>
      tpu.wait_dma2 semaphore(%run_scoped3A : memref<!tpu.dma_semaphore, #tpu.memory_space<semaphore_mem>>) src(%dma_wait3A_148 : memref<128x128xf32, #tpu.memory_space<vmem_shared>>) dst(%arg9 : memref<128x128xf32, #tpu.memory_space<vmem>>)
      tpu.yield
    }) : () -> ()
    %add3A_136 = arith.constant 384 : i32
    %add3A_137 = arith.addi %mul3A_6, %add3A_136 : i32
    "tpu.region"() ({
      %run_scoped3A = tpu.sem_alloc : memref<!tpu.dma_semaphore, #tpu.memory_space<semaphore_mem>>
      %dma_start3A_142 = arith.constant 0 : i32
      %dma_start3A_143 = tpu.memref_slice %arg4[%arg0, %add3A_137, %dma_start3A_142] : memref<2x10112x128xf32, #tpu.memory_space<hbm>> -> memref<1x128x128xf32, #tpu.memory_space<hbm>>
      %dma_start3A_144 = tpu.memref_squeeze %dma_start3A_143 : memref<1x128x128xf32, #tpu.memory_space<hbm>> -> memref<128x128xf32, #tpu.memory_space<hbm>>
      %dma_start3A_145 = arith.constant 0 : i32
      %dma_start3A_146 = tpu.memref_slice %arg4[%arg0, %add3A_137, %dma_start3A_145] : memref<2x10112x128xf32, #tpu.memory_space<hbm>> -> memref<1x128x128xf32, #tpu.memory_space<hbm>>
      %dma_start3A_147 = tpu.memref_squeeze %dma_start3A_146 : memref<1x128x128xf32, #tpu.memory_space<hbm>> -> memref<128x128xf32, #tpu.memory_space<hbm>>
      tpu.enqueue_dma source(%arg9 : memref<128x128xf32, #tpu.memory_space<vmem>>) target(%dma_start3A_147 : memref<128x128xf32, #tpu.memory_space<hbm>>) target_semaphore(%run_scoped3A : memref<!tpu.dma_semaphore, #tpu.memory_space<semaphore_mem>>)
      %dma_wait3A = arith.constant 0 : i32
      %dma_wait3A_148 = tpu.memref_slice %arg4[%arg0, %add3A_137, %dma_wait3A] : memref<2x10112x128xf32, #tpu.memory_space<hbm>> -> memref<1x128x128xf32, #tpu.memory_space<hbm>>
      %dma_wait3A_149 = tpu.memref_squeeze %dma_wait3A_148 : memref<1x128x128xf32, #tpu.memory_space<hbm>> -> memref<128x128xf32, #tpu.memory_space<hbm>>
      %dma_wait3A_150 = arith.constant 0 : i32
      %dma_wait3A_151 = tpu.memref_slice %arg4[%arg0, %add3A_137, %dma_wait3A_150] : memref<2x10112x128xf32, #tpu.memory_space<hbm>> -> memref<1x128x128xf32, #tpu.memory_space<hbm>>
      %dma_wait3A_152 = tpu.memref_squeeze %dma_wait3A_151 : memref<1x128x128xf32, #tpu.memory_space<hbm>> -> memref<128x128xf32, #tpu.memory_space<hbm>>
      tpu.wait_dma2 semaphore(%run_scoped3A : memref<!tpu.dma_semaphore, #tpu.memory_space<semaphore_mem>>) src(%arg9 : memref<128x128xf32, #tpu.memory_space<vmem>>) dst(%dma_wait3A_152 : memref<128x128xf32, #tpu.memory_space<hbm>>)
      tpu.yield
    }) : () -> ()
    %add3A_138 = arith.constant 512 : i32
    %add3A_139 = arith.addi %mul3A_6, %add3A_138 : i32
    "tpu.region"() ({
      %run_scoped3A = tpu.sem_alloc : memref<!tpu.dma_semaphore, #tpu.memory_space<semaphore_mem>>
      %dma_start3A_142 = arith.constant 0 : i32
      %dma_start3A_143 = arith.constant 0 : i32
      %dma_start3A_144 = tpu.memref_slice %arg9[%dma_start3A_142, %dma_start3A_143] : memref<128x128xf32, #tpu.memory_space<vmem>> -> memref<120x128xf32, #tpu.memory_space<vmem>>
      %dma_start3A_145 = arith.constant 0 : i32
      %dma_start3A_146 = tpu.memref_slice %arg10[%add3A_139, %dma_start3A_145] : memref<10112x128xf32, #tpu.memory_space<vmem_shared>> -> memref<120x128xf32, #tpu.memory_space<vmem_shared>>
      %dma_start3A_147 = arith.constant 0 : i32
      %dma_start3A_148 = arith.constant 0 : i32
      %dma_start3A_149 = tpu.memref_slice %arg9[%dma_start3A_147, %dma_start3A_148] : memref<128x128xf32, #tpu.memory_space<vmem>> -> memref<120x128xf32, #tpu.memory_space<vmem>>
      %dma_start3A_150 = arith.constant 0 : i32
      %dma_start3A_151 = tpu.memref_slice %arg10[%add3A_139, %dma_start3A_150] : memref<10112x128xf32, #tpu.memory_space<vmem_shared>> -> memref<120x128xf32, #tpu.memory_space<vmem_shared>>
      tpu.enqueue_dma source(%dma_start3A_151 : memref<120x128xf32, #tpu.memory_space<vmem_shared>>) target(%dma_start3A_149 : memref<120x128xf32, #tpu.memory_space<vmem>>) target_semaphore(%run_scoped3A : memref<!tpu.dma_semaphore, #tpu.memory_space<semaphore_mem>>)
      %dma_wait3A = arith.constant 0 : i32
      %dma_wait3A_152 = arith.constant 0 : i32
      %dma_wait3A_153 = tpu.memref_slice %arg9[%dma_wait3A, %dma_wait3A_152] : memref<128x128xf32, #tpu.memory_space<vmem>> -> memref<120x128xf32, #tpu.memory_space<vmem>>
      %dma_wait3A_154 = arith.constant 0 : i32
      %dma_wait3A_155 = tpu.memref_slice %arg10[%add3A_139, %dma_wait3A_154] : memref<10112x128xf32, #tpu.memory_space<vmem_shared>> -> memref<120x128xf32, #tpu.memory_space<vmem_shared>>
      %dma_wait3A_156 = arith.constant 0 : i32
      %dma_wait3A_157 = arith.constant 0 : i32
      %dma_wait3A_158 = tpu.memref_slice %arg9[%dma_wait3A_156, %dma_wait3A_157] : memref<128x128xf32, #tpu.memory_space<vmem>> -> memref<120x128xf32, #tpu.memory_space<vmem>>
      %dma_wait3A_159 = arith.constant 0 : i32
      %dma_wait3A_160 = tpu.memref_slice %arg10[%add3A_139, %dma_wait3A_159] : memref<10112x128xf32, #tpu.memory_space<vmem_shared>> -> memref<120x128xf32, #tpu.memory_space<vmem_shared>>
      tpu.wait_dma2 semaphore(%run_scoped3A : memref<!tpu.dma_semaphore, #tpu.memory_space<semaphore_mem>>) src(%dma_wait3A_160 : memref<120x128xf32, #tpu.memory_space<vmem_shared>>) dst(%dma_wait3A_158 : memref<120x128xf32, #tpu.memory_space<vmem>>)
      tpu.yield
    }) : () -> ()
    %add3A_140 = arith.constant 512 : i32
    %add3A_141 = arith.addi %mul3A_6, %add3A_140 : i32
    "tpu.region"() ({
      %run_scoped3A = tpu.sem_alloc : memref<!tpu.dma_semaphore, #tpu.memory_space<semaphore_mem>>
      %dma_start3A_142 = arith.constant 0 : i32
      %dma_start3A_143 = arith.constant 0 : i32
      %dma_start3A_144 = tpu.memref_slice %arg9[%dma_start3A_142, %dma_start3A_143] : memref<128x128xf32, #tpu.memory_space<vmem>> -> memref<120x128xf32, #tpu.memory_space<vmem>>
      %dma_start3A_145 = arith.constant 0 : i32
      %dma_start3A_146 = tpu.memref_slice %arg4[%arg0, %add3A_141, %dma_start3A_145] : memref<2x10112x128xf32, #tpu.memory_space<hbm>> -> memref<1x120x128xf32, #tpu.memory_space<hbm>>
      %dma_start3A_147 = tpu.memref_squeeze %dma_start3A_146 : memref<1x120x128xf32, #tpu.memory_space<hbm>> -> memref<120x128xf32, #tpu.memory_space<hbm>>
      %dma_start3A_148 = arith.constant 0 : i32
      %dma_start3A_149 = tpu.memref_slice %arg4[%arg0, %add3A_141, %dma_start3A_148] : memref<2x10112x128xf32, #tpu.memory_space<hbm>> -> memref<1x120x128xf32, #tpu.memory_space<hbm>>
      %dma_start3A_150 = tpu.memref_squeeze %dma_start3A_149 : memref<1x120x128xf32, #tpu.memory_space<hbm>> -> memref<120x128xf32, #tpu.memory_space<hbm>>
      %dma_start3A_151 = arith.constant 0 : i32
      %dma_start3A_152 = arith.constant 0 : i32
      %dma_start3A_153 = tpu.memref_slice %arg9[%dma_start3A_151, %dma_start3A_152] : memref<128x128xf32, #tpu.memory_space<vmem>> -> memref<120x128xf32, #tpu.memory_space<vmem>>
      tpu.enqueue_dma source(%dma_start3A_153 : memref<120x128xf32, #tpu.memory_space<vmem>>) target(%dma_start3A_150 : memref<120x128xf32, #tpu.memory_space<hbm>>) target_semaphore(%run_scoped3A : memref<!tpu.dma_semaphore, #tpu.memory_space<semaphore_mem>>)
      %dma_wait3A = arith.constant 0 : i32
      %dma_wait3A_154 = arith.constant 0 : i32
      %dma_wait3A_155 = tpu.memref_slice %arg9[%dma_wait3A, %dma_wait3A_154] : memref<128x128xf32, #tpu.memory_space<vmem>> -> memref<120x128xf32, #tpu.memory_space<vmem>>
      %dma_wait3A_156 = arith.constant 0 : i32
      %dma_wait3A_157 = tpu.memref_slice %arg4[%arg0, %add3A_141, %dma_wait3A_156] : memref<2x10112x128xf32, #tpu.memory_space<hbm>> -> memref<1x120x128xf32, #tpu.memory_space<hbm>>
      %dma_wait3A_158 = tpu.memref_squeeze %dma_wait3A_157 : memref<1x120x128xf32, #tpu.memory_space<hbm>> -> memref<120x128xf32, #tpu.memory_space<hbm>>
      %dma_wait3A_159 = arith.constant 0 : i32
      %dma_wait3A_160 = tpu.memref_slice %arg4[%arg0, %add3A_141, %dma_wait3A_159] : memref<2x10112x128xf32, #tpu.memory_space<hbm>> -> memref<1x120x128xf32, #tpu.memory_space<hbm>>
      %dma_wait3A_161 = tpu.memref_squeeze %dma_wait3A_160 : memref<1x120x128xf32, #tpu.memory_space<hbm>> -> memref<120x128xf32, #tpu.memory_space<hbm>>
      %dma_wait3A_162 = arith.constant 0 : i32
      %dma_wait3A_163 = arith.constant 0 : i32
      %dma_wait3A_164 = tpu.memref_slice %arg9[%dma_wait3A_162, %dma_wait3A_163] : memref<128x128xf32, #tpu.memory_space<vmem>> -> memref<120x128xf32, #tpu.memory_space<vmem>>
      tpu.wait_dma2 semaphore(%run_scoped3A : memref<!tpu.dma_semaphore, #tpu.memory_space<semaphore_mem>>) src(%dma_wait3A_164 : memref<120x128xf32, #tpu.memory_space<vmem>>) dst(%dma_wait3A_161 : memref<120x128xf32, #tpu.memory_space<hbm>>)
      tpu.yield
    }) : () -> ()
    return
  }
}

module attributes {stable_mosaic.version = 14 : i64} {
  func.func @_tc_body(%arg0: i32, %arg1: memref<2x2000x128xf32, #tpu.memory_space<vmem>>, %arg2: memref<128x128xf32, #tpu.memory_space<vmem>>, %arg3: memref<1x128xf32, #tpu.memory_space<vmem>>, %arg4: memref<2000x128xf32, #tpu.memory_space<vmem>>) attributes {dimension_semantics = [#tpu.dimension_semantics<arbitrary>], iteration_bounds = array<i64: 5>, scalar_prefetch = 0 : i64, scratch_operands = 0 : i64, tpu.core_type = #tpu.core_type<tc>, window_params = [{transform_indices = @transform_0, window_bounds = array<i64: 2, 2000, 128>}, {pipeline_mode = #tpu.pipeline_mode<synchronous>, transform_indices = @transform_1, window_bounds = array<i64: 128, 128>}, {pipeline_mode = #tpu.pipeline_mode<synchronous>, transform_indices = @transform_2, window_bounds = array<i64: 1, 128>}, {transform_indices = @transform_3, window_bounds = array<i64: 2000, 128>}]} {
    %get3A = arith.constant 0 : index
    %get3A_0 = arith.constant 0 : index
    %get3A_1 = arith.constant 0 : index
    %get3A_2 = vector.load %arg1[%get3A, %get3A_0, %get3A_1] : memref<2x2000x128xf32, #tpu.memory_space<vmem>>, vector<1x2000x128xf32>
    %get3A_3 = vector.shape_cast %get3A_2 : vector<1x2000x128xf32> to vector<2000x128xf32>
    %get3A_4 = arith.constant 1 : index
    %get3A_5 = arith.constant 0 : index
    %get3A_6 = arith.constant 0 : index
    %get3A_7 = vector.load %arg1[%get3A_4, %get3A_5, %get3A_6] : memref<2x2000x128xf32, #tpu.memory_space<vmem>>, vector<1x2000x128xf32>
    %get3A_8 = vector.shape_cast %get3A_7 : vector<1x2000x128xf32> to vector<2000x128xf32>
    %add3A = arith.addf %get3A_3, %get3A_8 : vector<2000x128xf32>
    %get3A_9 = arith.constant 0 : index
    %get3A_10 = arith.constant 0 : index
    %get3A_11 = vector.load %arg2[%get3A_9, %get3A_10] : memref<128x128xf32, #tpu.memory_space<vmem>>, vector<128x128xf32>
    %dot_general3A = arith.constant dense<0.000000e+00> : vector<2000x128xf32>
    %dot_general3A_12 = tpu.matmul %add3A, %get3A_11, %dot_general3A {dimension_numbers = #tpu.dot_dimension_numbers<[1], [0], [0], [1], [0, 0, 1, 1], [], []>, transpose_lhs_hint = false} : vector<2000x128xf32>, vector<128x128xf32>, vector<2000x128xf32> -> vector<2000x128xf32>
    %get3A_13 = arith.constant 0 : index
    %get3A_14 = arith.constant 0 : index
    %get3A_15 = vector.load %arg3[%get3A_13, %get3A_14] : memref<1x128xf32, #tpu.memory_space<vmem>>, vector<1x128xf32>
    %add3A_16 = vector.broadcast %get3A_15 : vector<1x128xf32> to vector<2000x128xf32>
    %add3A_17 = arith.addf %dot_general3A_12, %add3A_16 : vector<2000x128xf32>
    %swap3A = arith.constant 0 : index
    %swap3A_18 = arith.constant 0 : index
    %swap3A_19 = vector.load %arg4[%swap3A, %swap3A_18] : memref<2000x128xf32, #tpu.memory_space<vmem>>, vector<2000x128xf32>
    tpu.vector_store %arg4[%swap3A, %swap3A_18], %add3A_17 {strides = array<i32>} : memref<2000x128xf32, #tpu.memory_space<vmem>>, vector<2000x128xf32>,
    return
  }
  func.func @transform_0(%arg0: i32) -> (i32, i32, i32) {
    %c0_i32 = arith.constant 0 : i32
    %c0_i32_0 = arith.constant 0 : i32
    %c0_i32_1 = arith.constant 0 : i32
    return %c0_i32, %arg0, %c0_i32_0 : i32, i32, i32
  }
  func.func @transform_1(%arg0: i32) -> (i32, i32) {
    %c0_i32 = arith.constant 0 : i32
    %c0_i32_0 = arith.constant 0 : i32
    %c0_i32_1 = arith.constant 0 : i32
    return %c0_i32, %c0_i32_0 : i32, i32
  }
  func.func @transform_2(%arg0: i32) -> (i32, i32) {
    %c0_i32 = arith.constant 0 : i32
    %c0_i32_0 = arith.constant 0 : i32
    %c0_i32_1 = arith.constant 0 : i32
    return %c0_i32, %c0_i32_0 : i32, i32
  }
  func.func @transform_3(%arg0: i32) -> (i32, i32) {
    %c0_i32 = arith.constant 0 : i32
    %c0_i32_0 = arith.constant 0 : i32
    return %arg0, %c0_i32 : i32, i32
  }
}

</mosaic_0001>

<sc_bundles>
// kernel: kernel.4.cloned.1.call-start
scs
__scs_entry_jumppad:
0x0: {  	(pc) =	sbr.rel $0x88, $3  }
0x1: {  	(tag) =	ssettag $0x0;
	lr =	simm.s32 $0x1  }
0x2: {  	[smem:$0x3F9D] =	sst lr;
	_ =	strace $0xD0000000  }
0x3: {  	_ = 	snop  }
0x4: {  	_ = 	snop  }
0x5: {  	_ = 	snop  }
0x6: {  	_ = 	snop  }
0x7: {  	_ = 	snop  }
__scs_overlays_trampoline_lowered:
0x8: {  	[smem:$0x3FAC] =	sst s0  }
0x9: {  	[smem:$0x3FAD] =	sst s1  }
0xa: {  	[smem:$0x3FAE] =	sst s2  }
0xb: {  	[smem:$0x3FAF] =	sst s3  }
0xc: {  	[smem:$0x3FB0] =	sst s4  }
0xd: {  	[smem:$0x3FB1] =	sst s5  }
0xe: {  	[smem:$0x3FB2] =	sst s6  }
0xf: {  	[smem:$0x3FB3] =	sst s7  }
0x10: {  	[smem:$0x3FB4] =	sst s8  }
0x11: {  	[smem:$0x3FB5] =	sst s9;
	s0 =	simm.s32 @!p0 $0x0  }
0x12: {  	s1 =	sld [smem:$0x3F9B];
	s0 =	simm.s32 @p0 $0x1  }
0x13: {  	[smem:$0x3FB6] =	sst s0;
	s0 =	simm.s32 @!p1 $0x0  }
0x14: {  	s2 =	sld [smem:$0x3F9A];
	s0 =	simm.s32 @p1 $0x1  }
0x15: {  	[smem:$0x3FB7] =	sst s0;
	s0 =	simm.s32 @!p2 $0x0  }
0x16: {  	s3 =	sld [smem:$0x3FDB];
	s0 =	simm.s32 @p2 $0x1  }
0x17: {  	s4 =	simm.s32 $0x1BF5;
	[smem:$0x3FB9] =	sst s0  }
0x18: {  	s0 =	sld [smem:$0x3F9C];
	_ =	swait.ge [sflag:s4], $0x0  }
0x19: {  	s7 =	sld [smem:$0x3F9D]  }
0x1a: {  	s8 =	sadd.s32 $0xFFFFE003, lr  }
0x1b: {  	s9 =	sadd.s32 $0xFFFFFEF7, lr;
	s5 =	simm.s32 $0xFFFFFFFF;
	p2 =	slt.u32 s8, $0xFFFFF086  }
0x1c: {  	p1 =	slt.u32 s9, $0xF7A;
	s5 =	simm.s32 @!p2 $0x0  }
0x1d: {  	s5 =	simm.s32 @p1 $0x1;
	p0 =	seq.s32 s7, s2  }
0x1e: {  	s7 =	smul.u32 @!p0 $0xF7A, s2;
	p2 =	seq.s32 @!p0 s5, $0x0  }
0x1f: {  	s9 =	smul.u32 $0xF7A, s1;
	s8 =	simm.s32 @!p0 $0x1BF5;
	p2 =	por !p2, p0  }
0x20: {  	[sflag:s8] =	ssyncset.s32 @!p0 $0xFFFFF086;
	s6 =	sadd.s32 @!p0 s3, s7;
	s7 =	simm.s32 @!p0 $0x108  }
0x21: {  	s3 =	sadd.s32 s3, s9;
	s6 =	sadd.s32 @!p0 $0x88, s6;
	s7 =	simm.s32 @p2 $0x1082  }
0x22: {  	[simem:s7], [sflag:s8] =	dma.local @!p0 [hbm:s6], $0xF7A  }
0x23: {  	s9 =	sor.u32 $0xD0000000, s2;
	s6 =	simm.s32 $0x108;
	_ =	swait.ge @!p0 [sflag:s8], $0x0  }
0x24: {  	s3 =	sadd.s32 $0x88, s3;
	s6 =	simm.s32 @!p1 $0x1082;
	[sflag:s4] =	ssyncset.s32 $0xFFFFF086  }
0x25: {  	[simem:s6], [sflag:s4] =	dma.local [hbm:s3], $0xF7A  }
0x26: {  	[smem:$0x3F9D] =	sst s1;
	(tag) =	ssettag s2;
	_ =	strace s9  }
0x27: {  	s1 =	sld [smem:$0x3FAD]  }
0x28: {  	s2 =	sld [smem:$0x3FAE]  }
0x29: {  	s4 =	sld [smem:$0x3FB0]  }
0x2a: {  	p0 =	seq.s32 s5, $0x0;
	s5 =	sld [smem:$0x3FB1]  }
0x2b: {  	s6 =	sld [smem:$0x3FB2]  }
0x2c: {  	s7 =	sld [smem:$0x3FB3]  }
0x2d: {  	s3 =	simm.s32 $0x108;
	s8 =	sld [smem:$0x3FB4]  }
0x2e: {  	s3 =	simm.s32 @!p0 $0x1082;
	s9 =	sld [smem:$0x3FB5]  }
0x2f: {  	lr =	sadd.s32 s0, s3;
	s0 =	sld [smem:$0x3FAC]  }
0x30: {  	s3 =	sld [smem:$0x3FAF]  }
0x31: {  	[smem:$0x3FB8] =	sst s10  }
0x32: {  	s10 =	sld [smem:$0x3FB6];
	_ =	sdelay $0x3  }
0x33: {  	p0 =	seq.s32 s10, $0x1;
	s10 =	sld [smem:$0x3FB8];
	_ =	sdelay $0x3  }
0x34: {  	[smem:$0x3FB8] =	sst s10  }
0x35: {  	s10 =	sld [smem:$0x3FB7];
	_ =	sdelay $0x3  }
0x36: {  	p1 =	seq.s32 s10, $0x1;
	s10 =	sld [smem:$0x3FB8];
	_ =	sdelay $0x3  }
0x37: {  	[smem:$0x3FB8] =	sst s10  }
0x38: {  	s10 =	sld [smem:$0x3FB9]  }
0x39: {  	_ = 	snop;
	(pc) =	sbr.ind lr, $3  }
0x3a: {  	_ = 	snop  }
0x3b: {  	_ = 	snop  }
0x3c: {  	p2 =	seq.s32 s10, $0x1;
	s10 =	sld [smem:$0x3FB8]  }
0x3d: {  	_ =	shalt  }
0x3e: {  	_ =	shalt  }
0x3f: {  	_ =	shalt  }
0x40: {  	_ =	shalt  }
0x41: {  	_ =	shalt  }
0x42: {  	_ =	shalt  }
0x43: {  	_ =	shalt  }
0x44: {  	_ =	shalt  }
0x45: {  	_ =	shalt  }
0x46: {  	_ =	shalt  }
0x47: {  	_ =	shalt  }
0x48: {  	_ =	shalt  }
0x49: {  	_ =	shalt  }
0x4a: {  	_ =	shalt  }
0x4b: {  	_ =	shalt  }
0x4c: {  	_ =	shalt  }
0x4d: {  	_ =	shalt  }
0x4e: {  	_ =	shalt  }
0x4f: {  	_ =	shalt  }
0x50: {  	_ =	shalt  }
0x51: {  	_ =	shalt  }
0x52: {  	_ =	shalt  }
0x53: {  	_ =	shalt  }
0x54: {  	_ =	shalt  }
0x55: {  	_ =	shalt  }
0x56: {  	_ =	shalt  }
0x57: {  	_ =	shalt  }
0x58: {  	_ =	shalt  }
0x59: {  	_ =	shalt  }
0x5a: {  	_ =	shalt  }
0x5b: {  	_ =	shalt  }
0x5c: {  	_ =	shalt  }
0x5d: {  	_ =	shalt  }
0x5e: {  	_ =	shalt  }
0x5f: {  	_ =	shalt  }
0x60: {  	_ =	shalt  }
0x61: {  	_ =	shalt  }
0x62: {  	_ =	shalt  }
0x63: {  	_ =	shalt  }
0x64: {  	_ =	shalt  }
0x65: {  	_ =	shalt  }
0x66: {  	_ =	shalt  }
0x67: {  	_ =	shalt  }
0x68: {  	_ =	shalt  }
0x69: {  	_ =	shalt  }
0x6a: {  	_ =	shalt  }
0x6b: {  	_ =	shalt  }
0x6c: {  	_ =	shalt  }
0x6d: {  	_ =	shalt  }
0x6e: {  	_ =	shalt  }
0x6f: {  	_ =	shalt  }
0x70: {  	_ =	shalt  }
0x71: {  	_ =	shalt  }
0x72: {  	_ =	shalt  }
0x73: {  	_ =	shalt  }
0x74: {  	_ =	shalt  }
0x75: {  	_ =	shalt  }
0x76: {  	_ =	shalt  }
0x77: {  	_ =	shalt  }
0x78: {  	_ =	shalt  }
0x79: {  	_ =	shalt  }
0x7a: {  	_ =	shalt  }
0x7b: {  	_ =	shalt  }
0x7c: {  	_ =	shalt  }
0x7d: {  	_ =	shalt  }
0x7e: {  	_ =	shalt  }
0x7f: {  	_ =	shalt  }
0x80: {  	_ =	shalt  }
0x81: {  	_ =	shalt  }
0x82: {  	_ =	shalt  }
0x83: {  	_ =	shalt  }
0x84: {  	_ =	shalt  }
0x85: {  	_ =	shalt  }
0x86: {  	_ =	shalt  }
0x87: {  	_ =	shalt  }
.Lfunc_end0:
.L_simem_size_0:
called_computation_lowered:
.L_overlay_start_0:
0x88: {  	s2 =	sld [smem:$0x3FD9]  }
0x89: {  	s3 =	sld [smem:$0x3FFE];
	_ =	sdelay $0x1  }
0x8a: {  	s1 =	srdreg.scid  }
0x8b: {  	s0 =	sand.u32 $0x1, s1  }
0x8c: {  	s17 =	sshll.u32 s0, $0xA;
	s2 =	sadd.s32 s3, s2  }
0x8d: {  	s2 =	sadd.s32 s2, s17  }
0x8e: {  	[smem:$0x3FC4] =	sst s2  }
0x8f: {  	_ = 	snop  }
0x90: {  	s2 =	sld [smem:$0x3FC9]  }
0x91: {  	s18 =	sld [smem:$0x3FD0];
	(tm) =	ssettm $0x1  }
0x92: {  	s4 =	sld [smem:$0x3FFB];
	_ =	sdelay $0x3  }
0x93: {  	_ =	strace s4  }
0x94: {  	s4 =	sld [smem:$0x3FFC];
	_ =	sdelay $0x3  }
0x95: {  	_ =	strace s4  }
0x96: {  	s4 =	sld [smem:$0x3FFD];
	_ =	sdelay $0x3  }
0x97: {  	_ =	strace s4  }
0x98: {  	_ =	strace $0x8FFFFFFF  }
0x99: {  	s19 =	sld [smem:$0x3FDB];
	_ =	sdelay $0x1  }
0x9a: {  	s5 =	simm.s32 $_scs_section_size  }
0x9b: {  	s6 =	simm.s32 $_size__tile_overlayer_lowered;
	s7 =	simm.s32 $_tile_overlayer_lowered  }
0x9c: {  	s22 =	simm.s32 $0x1BFF;
	s21 =	sshll.u32 s7, $0x1;
	s4 =	sadd.s32 s5, s19  }
0x9d: {  	s8 =	simm.s32 $0x0;
	s20 =	sshll.u32 s6, $0x1;
	s6 =	sadd.s32 s21, s4  }
0x9e: {  	[timem:s8], [sflag:s22] =	dma.local [hbm:s6], s20  }
0x9f: {  	_ =	swait.ge [sflag:s22], s20  }
0xa0: {  	s5 =	ssub.s32 $0x0, s20;
	[sflag:s22] =	ssyncset.done $0x0  }
0xa1: {  	[sflag:s22] =	ssyncadd.s32 s5;
	_ =	sdelay $0x1  }
0xa2: {  	s23 =	simm.s32 $0x1B8B  }
0xa3: {  	_ =	swait.ge [sflag:s23], $0x1  }
0xa4: {  	[sflag:s23] =	ssyncset.done $0x0  }
0xa5: {  	s25 =	simm.s32 $0x1B8E;
	s24 =	sld [smem:$0x3FFE];
	[sflag:s23] =	ssyncadd.s32 $0xFFFFFFFF  }
0xa6: {  	s26 =	simm.s32 $execute0_lowered;
	[smem:$0x3FD2] =	sst s25  }
0xa7: {  	s6 =	sshll.u32 s26, $0x1;
	_ =	strace $0x80000046;
	[dreg:$0x1] =	wrdreg $0xFFFFFFFF  }
0xa8: {  	s28 =	simm.s32 $_size_execute0_lowered;
	s4 =	sadd.s32 s4, s6;
	[dreg:$0x0] =	wrdreg $0x0  }
0xa9: {  	s6 =	sshll.u32 s28, $0x1;
	[dreg:$0x2] =	wrdreg s4  }
0xaa: {  	[dreg:$0x3] =	wrdreg s6  }
0xab: {  	[dreg:$0x4] =	wrdreg $0xC0  }
0xac: {  	_ =	task [dreg:s8], $0x5FFFF  }
0xad: {  	[dreg:$0x1] =	wrdreg $0xFFFFFFFF  }
0xae: {  	[dreg:$0x0] =	wrdreg $0x60  }
0xaf: {  	[dreg:$0x2] =	wrdreg s2  }
0xb0: {  	[dreg:$0x3] =	wrdreg s18  }
0xb1: {  	[dreg:$0x4] =	wrdreg s24  }
0xb2: {  	[dreg:$0x5] =	wrdreg $0xB0000  }
0xb3: {  	[dreg:$0x6] =	wrdreg $0x9  }
0xb4: {  	_ =	task.clear_ibuf [dreg:s8], $0x7FFFF;
	_ =	strace $0x90000046  }
0xb5: {  	s29 =	simm.s32 $0x9;
	_ =	strace $0x80000048  }
0xb6: {  	_ =	swait.ge [sflag:s29], $0x1  }
0xb7: {  	[sflag:s29] =	ssyncadd.s32 $0xFFFFFFFF  }
0xb8: {  	_ =	strace $0x90000048  }
0xb9: {  	_ =	sfence  }
0xba: {  	s30 =	sld [smem:$0x0];
	_ =	sdelay $0x2  }
0xbb: {  	s31 =	sshll.u32 s1, $0xD;
	s1 =	sshrl.u32 s1, $0x2  }
0xbc: {  	s3 =	sand.u32 $0x4000, s31;
	s1 =	sadd.s32 s1, s30  }
0xbd: {  	s0 =	sor.u32 s3, s0;
	s1 =	sshll.u32 s1, $0x11  }
0xbe: {  	s0 =	sor.u32 s1, s0  }
0xbf: {  	s0 =	sadd.s32 $0x8F2B, s0  }
0xc0: {  	[sflag:s0] =	ssyncadd.remote.s32 $0x1  }
0xc1: {  	_ =	sfence.sel $0xFFFF  }
0xc2: {  	[dreg:$0x0] =	wrdreg $0xFFFFFFFF;
	(pc) =	sbr.abs _section_cstart, $3  }
0xc3: {  	[dreg:$0x1] =	wrdreg $0xFFFFFFFF  }
0xc4: {  	_ =	task.clear_ibuf [dreg:s8], $0x2FFFF;
	_ =	strace $0x9FFFFFFF  }
0xc5: {  	(tm) =	ssettm $0x7FFFFFFF  }
tec
execute0_lowered:
.L_overlay_start_1:
0x0: {  	(tag) =	ssettag $0x1  }
0x1: {  	s1 =	rddreg [dreg:$0x0]  }
0x2: {  	s5 =	rddreg [dreg:$0x1]  }
0x3: {  	s2 =	srdreg.scid;
	s6 =	rddreg [dreg:$0x2]  }
0x4: {  	s0 =	stileid.u32;
	s3 =	rddreg [dreg:$0x3]  }
0x5: {  	s4 =	simm.s32 $0x0;
	s19 =	simm.s32 $0x40;
	s20 =	simm.s32 $0x2800  }
0x6: {  	s21 =	simm.s32 $0x3000;
	s22 =	simm.s32 $0x2880;
	s23 =	simm.s32 $0x5000  }
0x7: {  	s28 =	simm.s32 $0x2C80;
	s29 =	simm.s32 $0x0;
	s7 =	sand.u32 $0x1, s2  }
0x8: {  	s24 =	sshll.u32 s0, $0x1;
	s2 =	rddreg [dreg:$0x4];
	s10 =	smul.u32 $0x4F000, s0  }
0x9: {  	[smem:$0x7FF] =	sst s4;
	s12 =	smul.u32 $0x13C00, s0;
	s15 =	sadd.s32 $0x200, s6  }
0xa: {  	s8 =	sor.u32 s7, s24;
	s9 =	ssub.s32 $0x2, s7;
	s17 =	smul.u32 $0x13C000, s7  }
0xb: {  	_ =	strace $0x80000047;
	s24 =	simm.s32 $0x1;
	s8 =	smul.u32 $0x500, s8  }
0xc: {  	s11 =	sshrl.u32 s9, $0x1;
	s25 =	sshrl.u32 s10, $0x2;
	s26 =	sadd.s32 $0x4000, s12  }
0xd: {  	s13 =	sadd.s32 $0x8000, s12;
	s14 =	sadd.s32 $0xC000, s12;
	s18 =	sadd.s32 $0x10000, s12  }
0xe: {  	s16 =	ssub.s32 s9, s11;
	s6 =	sadd.s32 s25, s3;
	s7 =	sadd.s32 s26, s3  }
0xf: {  	s9 =	sadd.s32 s14, s3;
	s30 =	sadd.s32 s12, s17;
	s31 =	sadd.s32 s17, s26  }
0x10: {  	s10 =	sadd.s32 s18, s3;
	s14 =	sadd.s32 s17, s14;
	s25 =	simm.s32 $0x2C00  }
0x11: {  	s26 =	simm.s32 $0x2;
	s5 =	sadd.s32 s5, s8;
	s8 =	sadd.s32 s13, s3  }
0x12: {  	s11 =	sshrl.u32 s30, $0x3;
	s12 =	sshrl.u32 s31, $0x3;
	s13 =	sadd.s32 s17, s13  }
0x13: {  	s17 =	sadd.s32 s17, s18;
	s14 =	sshrl.u32 s14, $0x3;
	s16 =	smax.u32 s16, $0x1  }
0x14: {  	s18 =	simm.s32 $0x7000;
	s11 =	sadd.s32 s15, s11;
	s12 =	sadd.s32 s15, s12  }
0x15: {  	s13 =	sshrl.u32 s13, $0x3;
	s17 =	sshrl.u32 s17, $0x3;
	s14 =	sadd.s32 s15, s14  }
0x16: {  	v0 =	vimm.f32 $0.0e+00;
	s13 =	sadd.s32 s15, s13;
	s15 =	sadd.s32 s15, s17;
	s17 =	simm.s32 $0x3  }
.LBB2_1:
0x17: {  	[tilespmem:s4], [sflag:$0x3] =	stream.linear.gather [hbm4b:s5+s4], $0x2780, $0x38;
	[tilespmem:$0x1EC00] =	vst v63  }
0x18: {  	_ =	swait.ge [sflag:s17], $0x2780  }
0x19: {  	[sflag:s17] =	ssyncset.done $0x0  }
0x1a: {  	s30 =	simm.s32 $0x0;
	s31 =	simm.s32 $0x200;
	[sflag:s17] =	ssyncadd.s32 $0xFFFFD880  }
.LBB2_2:
0x1b: {  	p0 =	sne.s32 s31, $0xFE00;
	[tilespmem:s30+$0x7070] =	vst v0  }
0x1c: {  	[tilespmem:s30+$0x7000] =	vst v0  }
0x1d: {  	[tilespmem:s30+$0x7010] =	vst v0  }
.Ltmp0:
0x1e: {  	[tilespmem:s30+$0x7020] =	vst v0;
	(pc) =	sbr.rel @p0 .LBB2_2-.Ltmp0, $4  }
0x1f: {  	[tilespmem:s30+$0x7030] =	vst v0  }
0x20: {  	[tilespmem:s30+$0x7040] =	vst v0  }
0x21: {  	[tilespmem:s30+$0x7050] =	vst v0  }
0x22: {  	[tilespmem:s30+$0x7060] =	vst v0;
	s30 =	sshra.s32 s31, $0x2;
	s31 =	sadd.s32 $0x200, s31  }
0x23: {  	[tilespmem:s30+$0x7070] =	vst v0  }
0x24: {  	[tilespmem:s30+$0x7000] =	vst v0  }
0x25: {  	[tilespmem:s30+$0x7010] =	vst v0  }
0x26: {  	[tilespmem:s30+$0x7020] =	vst v0  }
0x27: {  	[tilespmem:s30+$0x7030] =	vst v0  }
0x28: {  	[tilespmem:s30+$0x7040] =	vst v0  }
0x29: {  	[tilespmem:s30+$0x7050] =	vst v0  }
0x2a: {  	[tilespmem:s30+$0x7060] =	vst v0  }
0x2b: {  	[spmem:s6] =	stream.linear.scatter [tilespmem:s18], [sflag:$0x3], $0x4000, $0x38;
	[tilespmem:$0x1EC00] =	vst v63  }
0x2c: {  	_ =	swait.ge [sflag:s17], $0x4000  }
0x2d: {  	[sflag:s17] =	ssyncset.done $0x0  }
0x2e: {  	[sflag:s17] =	ssyncadd.s32 $0xFFFFC000  }
0x2f: {  	[spmem:s7] =	stream.linear.scatter [tilespmem:s18], [sflag:$0x3], $0x4000, $0x38;
	[tilespmem:$0x1EC00] =	vst v63  }
0x30: {  	_ =	swait.ge [sflag:s17], $0x4000  }
0x31: {  	[sflag:s17] =	ssyncset.done $0x0  }
0x32: {  	[sflag:s17] =	ssyncadd.s32 $0xFFFFC000  }
0x33: {  	[spmem:s8] =	stream.linear.scatter [tilespmem:s18], [sflag:$0x3], $0x4000, $0x38;
	[tilespmem:$0x1EC00] =	vst v63  }
0x34: {  	_ =	swait.ge [sflag:s17], $0x4000  }
0x35: {  	[sflag:s17] =	ssyncset.done $0x0  }
0x36: {  	[sflag:s17] =	ssyncadd.s32 $0xFFFFC000  }
0x37: {  	[spmem:s9] =	stream.linear.scatter [tilespmem:s18], [sflag:$0x3], $0x4000, $0x38;
	[tilespmem:$0x1EC00] =	vst v63  }
0x38: {  	_ =	swait.ge [sflag:s17], $0x4000  }
0x39: {  	[sflag:s17] =	ssyncset.done $0x0  }
0x3a: {  	[sflag:s17] =	ssyncadd.s32 $0xFFFFC000  }
0x3b: {  	[spmem:s10] =	stream.linear.scatter [tilespmem:s18], [sflag:$0x3], $0x3C00, $0x38;
	[tilespmem:$0x1EC00] =	vst v63  }
0x3c: {  	_ =	swait.ge [sflag:s17], $0x3C00  }
0x3d: {  	[sflag:s17] =	ssyncset.done $0x0  }
0x3e: {  	[sflag:s17] =	ssyncadd.s32 $0xFFFFC400  }
0x3f: {  	[bflag:$0x0] =	sbarrier.arrive $0xFFFF  }
0x40: {  	v1 =	vld [tilespmem:$0x0];
	_ =	sdelay $0x1  }
0x41: {  	v2 =	vld [tilespmem:$0x10];
	_ =	sdelay $0x1  }
0x42: {  	v3 =	vld [tilespmem:$0x20]  }
0x43: {  	v4 =	vand.u32 $0xFFFF, v1  }
0x44: {  	v63 =	vld [tilespmem:$0x30];
	v1 =	vshra.s32 v1, $0x10;
	[tilespmem:$0x2800] =	vst v4  }
0x45: {  	[tilespmem:$0x2C00] =	vst v1;
	v1 =	vand.u32 $0xFFFF, v2  }
0x46: {  	[tilespmem:$0x2810] =	vst v1;
	v1 =	vshra.s32 v2, $0x10  }
0x47: {  	[tilespmem:$0x2C10] =	vst v1;
	v1 =	vand.u32 $0xFFFF, v3  }
0x48: {  	[tilespmem:$0x2820] =	vst v1;
	v1 =	vshra.s32 v3, $0x10  }
0x49: {  	[tilespmem:$0x2C20] =	vst v1;
	v1 =	vand.u32 $0xFFFF, v63  }
0x4a: {  	[tilespmem:$0x2830] =	vst v1;
	v1 =	vshra.s32 v63, $0x10  }
0x4b: {  	s30 =	simm.s32 $0xB0;
	[tilespmem:$0x2C30] =	vst v1  }
0x4c: {  	[tilespmem:s21], [sflag:$0x1] =	stream.indirect.gather [hbm4b:s1+s19], $0x80, s20, s19, $0xb8;
	[tilespmem:$0x1EC00] =	vst v63  }
0x4d: {  	v1 =	vld [tilespmem:s30+$0xFFFFFF90];
	_ =	sdelay $0x4  }
0x4e: {  	v2 =	vand.u32 $0xFFFF, v1  }
0x4f: {  	v1 =	vshra.s32 v1, $0x10;
	[tilespmem:$0x2880] =	vst v2  }
0x50: {  	[tilespmem:$0x2C80] =	vst v1  }
0x51: {  	v1 =	vld [tilespmem:s30+$0xFFFFFFA0];
	_ =	sdelay $0x4  }
0x52: {  	v2 =	vand.u32 $0xFFFF, v1  }
0x53: {  	v1 =	vshra.s32 v1, $0x10;
	[tilespmem:$0x2890] =	vst v2  }
0x54: {  	[tilespmem:$0x2C90] =	vst v1  }
0x55: {  	v1 =	vld [tilespmem:s30+$0xFFFFFFB0];
	_ =	sdelay $0x4  }
0x56: {  	v2 =	vand.u32 $0xFFFF, v1  }
0x57: {  	v1 =	vshra.s32 v1, $0x10;
	[tilespmem:$0x28A0] =	vst v2  }
0x58: {  	[tilespmem:$0x2CA0] =	vst v1  }
0x59: {  	v1 =	vld [tilespmem:s30+$0xFFFFFFC0];
	_ =	sdelay $0x4  }
0x5a: {  	v2 =	vand.u32 $0xFFFF, v1  }
0x5b: {  	v1 =	vshra.s32 v1, $0x10;
	[tilespmem:$0x28B0] =	vst v2  }
0x5c: {  	[tilespmem:$0x2CB0] =	vst v1  }
0x5d: {  	[tilespmem:s23], [sflag:$0x2] =	stream.indirect.gather [hbm4b:s1+s19], $0x80, s22, s19, $0xb8;
	[tilespmem:$0x1EC00] =	vst v63  }
0x5e: {  	_ =	swait.ge [sflag:s24], $0x2000  }
0x5f: {  	[sflag:s24] =	ssyncset.done $0x0  }
0x60: {  	[sflag:s24] =	ssyncadd.s32 $0xFFFFE000  }
0x61: {  	[spmem:s3] =	stream.indirect.scatter.add.f32 [tilespmem:s21], [sflag:$0x3], $0x80, s25, s19, $0xb8;
	[tilespmem:$0x1EC00] =	vst v63  }
0x62: {  	_ =	swait.ge [sflag:s17], $0x2000  }
0x63: {  	[sflag:s17] =	ssyncset.done $0x0  }
0x64: {  	[sflag:s17] =	ssyncadd.s32 $0xFFFFE000  }
0x65: {  	v1 =	vld [tilespmem:s30+$0xFFFFFFD0];
	_ =	sdelay $0x4  }
0x66: {  	v2 =	vand.u32 $0xFFFF, v1  }
0x67: {  	v1 =	vshra.s32 v1, $0x10;
	[tilespmem:$0x2800] =	vst v2  }
0x68: {  	[tilespmem:$0x2C00] =	vst v1  }
0x69: {  	v1 =	vld [tilespmem:s30+$0xFFFFFFE0];
	_ =	sdelay $0x4  }
0x6a: {  	v2 =	vand.u32 $0xFFFF, v1  }
0x6b: {  	v1 =	vshra.s32 v1, $0x10;
	[tilespmem:$0x2810] =	vst v2  }
0x6c: {  	[tilespmem:$0x2C10] =	vst v1  }
0x6d: {  	v1 =	vld [tilespmem:s30+$0xFFFFFFF0];
	_ =	sdelay $0x4  }
0x6e: {  	v2 =	vand.u32 $0xFFFF, v1  }
0x6f: {  	v1 =	vshra.s32 v1, $0x10;
	[tilespmem:$0x2820] =	vst v2  }
0x70: {  	[tilespmem:$0x2C20] =	vst v1  }
0x71: {  	v1 =	vld [tilespmem:s30+$0x0];
	_ =	sdelay $0x4  }
0x72: {  	v2 =	vand.u32 $0xFFFF, v1  }
0x73: {  	s30 =	simm.s32 $0x4C0;
	v1 =	vshra.s32 v1, $0x10;
	[tilespmem:$0x2830] =	vst v2  }
.LBB2_4:
0x74: {  	p0 =	sne.s32 s30, $0x9CC0;
	[tilespmem:$0x2C30] =	vst v1;
	s31 =	smov.u32 s30;
	s30 =	sadd.s32 $0x200, s30  }
0x75: {  	[tilespmem:s21], [sflag:$0x1] =	stream.indirect.gather [hbm4b:s1+s19], $0x80, s20, s19, $0xb8;
	[tilespmem:$0x1EC00] =	vst v63  }
0x76: {  	_ =	swait.ge [sflag:s26], $0x2000  }
0x77: {  	[sflag:s26] =	ssyncset.done $0x0  }
0x78: {  	[sflag:s26] =	ssyncadd.s32 $0xFFFFE000  }
0x79: {  	[spmem:s3] =	stream.indirect.scatter.add.f32 [tilespmem:s23], [sflag:$0x3], $0x80, s28, s19, $0xb8;
	[tilespmem:$0x1EC00] =	vst v63  }
0x7a: {  	_ =	swait.ge [sflag:s17], $0x2000  }
0x7b: {  	[sflag:s17] =	ssyncset.done $0x0  }
0x7c: {  	s31 =	sshra.s32 s31, $0x2;
	[sflag:s17] =	ssyncadd.s32 $0xFFFFE000  }
0x7d: {  	v1 =	vld [tilespmem:s31+$0xFFFFFF90];
	_ =	sdelay $0x4  }
0x7e: {  	v2 =	vand.u32 $0xFFFF, v1;
	v1 =	vshra.s32 v1, $0x10  }
0x7f: {  	[tilespmem:$0x2880] =	vst v2  }
0x80: {  	[tilespmem:$0x2C80] =	vst v1  }
0x81: {  	v1 =	vld [tilespmem:s31+$0xFFFFFFA0];
	_ =	sdelay $0x4  }
0x82: {  	v2 =	vand.u32 $0xFFFF, v1;
	v1 =	vshra.s32 v1, $0x10  }
0x83: {  	[tilespmem:$0x2890] =	vst v2  }
0x84: {  	[tilespmem:$0x2C90] =	vst v1  }
0x85: {  	v1 =	vld [tilespmem:s31+$0xFFFFFFB0];
	_ =	sdelay $0x4  }
0x86: {  	v2 =	vand.u32 $0xFFFF, v1;
	v1 =	vshra.s32 v1, $0x10  }
0x87: {  	[tilespmem:$0x28A0] =	vst v2  }
0x88: {  	[tilespmem:$0x2CA0] =	vst v1  }
0x89: {  	v1 =	vld [tilespmem:s31+$0xFFFFFFC0];
	_ =	sdelay $0x4  }
0x8a: {  	v2 =	vand.u32 $0xFFFF, v1;
	v1 =	vshra.s32 v1, $0x10  }
0x8b: {  	[tilespmem:$0x28B0] =	vst v2  }
0x8c: {  	[tilespmem:$0x2CB0] =	vst v1  }
0x8d: {  	[tilespmem:s23], [sflag:$0x2] =	stream.indirect.gather [hbm4b:s1+s19], $0x80, s22, s19, $0xb8;
	[tilespmem:$0x1EC00] =	vst v63  }
0x8e: {  	_ =	swait.ge [sflag:s24], $0x2000  }
0x8f: {  	[sflag:s24] =	ssyncset.done $0x0  }
0x90: {  	[sflag:s24] =	ssyncadd.s32 $0xFFFFE000  }
0x91: {  	[spmem:s3] =	stream.indirect.scatter.add.f32 [tilespmem:s21], [sflag:$0x3], $0x80, s25, s19, $0xb8;
	[tilespmem:$0x1EC00] =	vst v63  }
0x92: {  	_ =	swait.ge [sflag:s17], $0x2000  }
0x93: {  	[sflag:s17] =	ssyncset.done $0x0  }
0x94: {  	[sflag:s17] =	ssyncadd.s32 $0xFFFFE000  }
0x95: {  	v1 =	vld [tilespmem:s31+$0xFFFFFFD0];
	_ =	sdelay $0x4  }
0x96: {  	v2 =	vand.u32 $0xFFFF, v1;
	v1 =	vshra.s32 v1, $0x10  }
0x97: {  	[tilespmem:$0x2800] =	vst v2  }
0x98: {  	[tilespmem:$0x2C00] =	vst v1  }
0x99: {  	v1 =	vld [tilespmem:s31+$0xFFFFFFE0];
	_ =	sdelay $0x4  }
0x9a: {  	v2 =	vand.u32 $0xFFFF, v1;
	v1 =	vshra.s32 v1, $0x10  }
0x9b: {  	[tilespmem:$0x2810] =	vst v2  }
0x9c: {  	[tilespmem:$0x2C10] =	vst v1  }
0x9d: {  	v1 =	vld [tilespmem:s31+$0xFFFFFFF0];
	_ =	sdelay $0x4  }
0x9e: {  	v2 =	vand.u32 $0xFFFF, v1;
	v1 =	vshra.s32 v1, $0x10  }
0x9f: {  	[tilespmem:$0x2820] =	vst v2  }
0xa0: {  	[tilespmem:$0x2C20] =	vst v1  }
0xa1: {  	v1 =	vld [tilespmem:s31+$0x0];
	_ =	sdelay $0x1  }
.Ltmp1:
0xa2: {  	(pc) =	sbr.rel @p0 .LBB2_4-.Ltmp1, $3  }
0xa3: {  	_ =	sdelay $0x1  }
0xa4: {  	v2 =	vand.u32 $0xFFFF, v1;
	v1 =	vshra.s32 v1, $0x10  }
0xa5: {  	[tilespmem:$0x2830] =	vst v2  }
0xa6: {  	[tilespmem:$0x2C30] =	vst v1  }
0xa7: {  	[tilespmem:s21], [sflag:$0x1] =	stream.indirect.gather [hbm4b:s1+s19], $0x80, s20, s19, $0xb8;
	[tilespmem:$0x1EC00] =	vst v63  }
0xa8: {  	_ =	swait.ge [sflag:s26], $0x2000  }
0xa9: {  	[sflag:s26] =	ssyncset.done $0x0  }
0xaa: {  	[sflag:s26] =	ssyncadd.s32 $0xFFFFE000  }
0xab: {  	[spmem:s3] =	stream.indirect.scatter.add.f32 [tilespmem:s23], [sflag:$0x3], $0x80, s28, s19, $0xb8;
	[tilespmem:$0x1EC00] =	vst v63  }
0xac: {  	_ =	swait.ge [sflag:s17], $0x2000  }
0xad: {  	[sflag:s17] =	ssyncset.done $0x0  }
0xae: {  	[sflag:s17] =	ssyncadd.s32 $0xFFFFE000  }
0xaf: {  	v1 =	vld [tilespmem:$0x2740];
	_ =	sdelay $0x1  }
0xb0: {  	v2 =	vld [tilespmem:$0x2750];
	_ =	sdelay $0x1  }
0xb1: {  	v3 =	vld [tilespmem:$0x2760]  }
0xb2: {  	v4 =	vand.u32 $0xFFFF, v1  }
0xb3: {  	v63 =	vld [tilespmem:$0x2770];
	v1 =	vshra.s32 v1, $0x10;
	[tilespmem:$0x2880] =	vst v4  }
0xb4: {  	[tilespmem:$0x2C80] =	vst v1;
	v1 =	vand.u32 $0xFFFF, v2  }
0xb5: {  	[tilespmem:$0x2890] =	vst v1;
	v1 =	vshra.s32 v2, $0x10  }
0xb6: {  	[tilespmem:$0x2C90] =	vst v1;
	v1 =	vand.u32 $0xFFFF, v3  }
0xb7: {  	[tilespmem:$0x28A0] =	vst v1;
	v1 =	vshra.s32 v3, $0x10  }
0xb8: {  	[tilespmem:$0x2CA0] =	vst v1;
	v1 =	vand.u32 $0xFFFF, v63  }
0xb9: {  	[tilespmem:$0x28B0] =	vst v1;
	v1 =	vshra.s32 v63, $0x10  }
0xba: {  	[tilespmem:$0x2CB0] =	vst v1  }
0xbb: {  	[tilespmem:s23], [sflag:$0x2] =	stream.indirect.gather [hbm4b:s1+s19], $0x80, s22, s19, $0xb8;
	[tilespmem:$0x1EC00] =	vst v63  }
0xbc: {  	_ =	swait.ge [sflag:s24], $0x2000  }
0xbd: {  	[sflag:s24] =	ssyncset.done $0x0  }
0xbe: {  	[sflag:s24] =	ssyncadd.s32 $0xFFFFE000  }
0xbf: {  	[spmem:s3] =	stream.indirect.scatter.add.f32 [tilespmem:s21], [sflag:$0x3], $0x80, s25, s19, $0xb8;
	[tilespmem:$0x1EC00] =	vst v63  }
0xc0: {  	_ =	swait.ge [sflag:s17], $0x2000  }
0xc1: {  	[sflag:s17] =	ssyncset.done $0x0  }
0xc2: {  	[sflag:s17] =	ssyncadd.s32 $0xFFFFE000  }
0xc3: {  	_ =	swait.ge [sflag:s26], $0x2000  }
0xc4: {  	[sflag:s26] =	ssyncset.done $0x0  }
0xc5: {  	[sflag:s26] =	ssyncadd.s32 $0xFFFFE000  }
0xc6: {  	[spmem:s3] =	stream.indirect.scatter.add.f32 [tilespmem:s23], [sflag:$0x3], $0x80, s28, s19, $0xb8;
	[tilespmem:$0x1EC00] =	vst v63  }
0xc7: {  	_ =	swait.ge [sflag:s17], $0x2000  }
0xc8: {  	[sflag:s17] =	ssyncset.done $0x0  }
0xc9: {  	[sflag:s17] =	ssyncadd.s32 $0xFFFFE000  }
0xca: {  	[bflag:$0x0] =	sbarrier.arrive $0xFFFF  }
0xcb: {  	[tilespmem:s18], [sflag:$0x3] =	stream.linear.gather [spmem:s6], $0x4000, $0x38;
	[tilespmem:$0x1EC00] =	vst v63  }
0xcc: {  	_ =	swait.ge [sflag:s17], $0x4000  }
0xcd: {  	[sflag:s17] =	ssyncset.done $0x0  }
0xce: {  	[sflag:s17] =	ssyncadd.s32 $0xFFFFC000  }
0xcf: {  	[hbm4b:s11+s4] =	stream.linear.scatter [tilespmem:s18], [sflag:$0x3], $0x4000, $0x38;
	[tilespmem:$0x1EC00] =	vst v63  }
0xd0: {  	_ =	swait.ge [sflag:s17], $0x4000  }
0xd1: {  	[sflag:s17] =	ssyncset.done $0x0  }
0xd2: {  	[sflag:s17] =	ssyncadd.s32 $0xFFFFC000  }
0xd3: {  	[tilespmem:s18], [sflag:$0x3] =	stream.linear.gather [spmem:s7], $0x4000, $0x38;
	[tilespmem:$0x1EC00] =	vst v63  }
0xd4: {  	_ =	swait.ge [sflag:s17], $0x4000  }
0xd5: {  	[sflag:s17] =	ssyncset.done $0x0  }
0xd6: {  	[sflag:s17] =	ssyncadd.s32 $0xFFFFC000  }
0xd7: {  	[hbm4b:s12+s4] =	stream.linear.scatter [tilespmem:s18], [sflag:$0x3], $0x4000, $0x38;
	[tilespmem:$0x1EC00] =	vst v63  }
0xd8: {  	_ =	swait.ge [sflag:s17], $0x4000  }
0xd9: {  	[sflag:s17] =	ssyncset.done $0x0  }
0xda: {  	[sflag:s17] =	ssyncadd.s32 $0xFFFFC000  }
0xdb: {  	[tilespmem:s18], [sflag:$0x3] =	stream.linear.gather [spmem:s8], $0x4000, $0x38;
	[tilespmem:$0x1EC00] =	vst v63  }
0xdc: {  	_ =	swait.ge [sflag:s17], $0x4000  }
0xdd: {  	[sflag:s17] =	ssyncset.done $0x0  }
0xde: {  	[sflag:s17] =	ssyncadd.s32 $0xFFFFC000  }
0xdf: {  	[hbm4b:s13+s4] =	stream.linear.scatter [tilespmem:s18], [sflag:$0x3], $0x4000, $0x38;
	[tilespmem:$0x1EC00] =	vst v63  }
0xe0: {  	_ =	swait.ge [sflag:s17], $0x4000  }
0xe1: {  	[sflag:s17] =	ssyncset.done $0x0  }
0xe2: {  	[sflag:s17] =	ssyncadd.s32 $0xFFFFC000  }
0xe3: {  	[tilespmem:s18], [sflag:$0x3] =	stream.linear.gather [spmem:s9], $0x4000, $0x38;
	[tilespmem:$0x1EC00] =	vst v63  }
0xe4: {  	_ =	swait.ge [sflag:s17], $0x4000  }
0xe5: {  	[sflag:s17] =	ssyncset.done $0x0  }
0xe6: {  	[sflag:s17] =	ssyncadd.s32 $0xFFFFC000  }
0xe7: {  	[hbm4b:s14+s4] =	stream.linear.scatter [tilespmem:s18], [sflag:$0x3], $0x4000, $0x38;
	[tilespmem:$0x1EC00] =	vst v63  }
0xe8: {  	_ =	swait.ge [sflag:s17], $0x4000  }
0xe9: {  	[sflag:s17] =	ssyncset.done $0x0  }
0xea: {  	[sflag:s17] =	ssyncadd.s32 $0xFFFFC000  }
0xeb: {  	[tilespmem:s18], [sflag:$0x3] =	stream.linear.gather [spmem:s10], $0x3C00, $0x38;
	[tilespmem:$0x1EC00] =	vst v63  }
0xec: {  	s29 =	sadd.s32 $0x1, s29;
	_ =	swait.ge [sflag:s17], $0x3C00  }
0xed: {  	p0 =	sne.s32 s29, s16;
	[sflag:s17] =	ssyncset.done $0x0  }
.Ltmp2:
0xee: {  	[sflag:s17] =	ssyncadd.s32 $0xFFFFC400;
	(pc) =	sbr.rel @p0 .LBB2_1-.Ltmp2, $4  }
0xef: {  	[hbm4b:s15+s4] =	stream.linear.scatter [tilespmem:s18], [sflag:$0x3], $0x3C00, $0x38;
	[tilespmem:$0x1EC00] =	vst v63  }
0xf0: {  	_ =	swait.ge [sflag:s17], $0x3C00  }
0xf1: {  	[sflag:s17] =	ssyncset.done $0x0  }
0xf2: {  	[sflag:s17] =	ssyncadd.s32 $0xFFFFC400  }
0xf3: {  	_ =	sfence.sel $0x180000  }
0xf4: {  	[bflag:$0x0] =	sbarrier.arrive $0xFFFF  }
0xf5: {  	p0 =	sne.s32 s0, $0x0;
	_ =	strace $0x90000047  }
0xf6: {  	s0 =	sadd.s32 @!p0 $0x100000, s2;
	[bflag:$0x2] =	sbarrier.arrive $0xFFFF  }
0xf7: {  	[sflag:s0] =	ssyncadd.tile.s32 @!p0 $0x1;
	_ =	shalt  }
.Lfunc_end2:
_tile_overlayer_lowered:
.L_overlay_start_2:
0xf8: {  	(tag) =	ssettag $0x2  }
0xf9: {  	s0 =	rddreg [dreg:$0x0];
	s2 =	stileid.u32  }
0xfa: {  	s1 =	rddreg [dreg:$0x1];
	p0 =	sne.s32 s2, $0x0  }
0xfb: {  	s3 =	rddreg [dreg:$0x2];
	[bflag:$0x3] =	sbarrier.arrive $0xFFFF;
	s2 =	simm.s32 @!p0 $0x1C03  }
0xfc: {  	[timem:s3], [sflag:s2] =	dma.local @!p0 [hbm:s0], s1  }
0xfd: {  	s0 =	simm.s32 @!p0 $0x3  }
0xfe: {  	_ =	swait.ge @!p0 [sflag:s0], s1  }
0xff: {  	s1 =	ssub.s32 @!p0 $0x0, s1;
	[sflag:s0] =	ssyncset.done @!p0 $0x0  }
0x100: {  	[sflag:s0] =	ssyncadd.s32 @!p0 s1  }
0x101: {  	[bflag:$0x3] =	sbarrier.arrive $0xFFFF  }
0x102: {  	_ =	shalt  }

</sc_bundles>
